<compile_context>
chip_gen: v7x
topology: tpu7x:2x2x1
jax: 0.10.2.dev20260603
libtpu: 0.0.44.dev20260713+nightly
codegen_flags: <defaults>
</compile_context>

<pallas_src>
import functools

import jax
import jax.numpy as jnp
from jax import lax
from jax.experimental import pallas as pl
from jax.experimental.pallas import tpu as pltpu
from jax.experimental.pallas import tpu_sc as plsc

N = 10000
F = 128
D = 3
NPAD = 10240
NW = 32
KJ = 79
EPW = KJ * 128
EPAD = NW * EPW
RPT = NPAD // 16
BN = 1024
GRID = NPAD // BN

_HI = jax.lax.Precision.DEFAULT


def _sc_segsum(h, src_b, dst_b):
    mesh = plsc.VectorSubcoreMesh(core_axis_name="c", subcore_axis_name="s")

    @functools.partial(
        pl.kernel,
        out_type=jax.ShapeDtypeStruct((2, NPAD, F), jnp.float32),
        mesh=mesh,
        scratch_types=[
            pltpu.VMEM((KJ, 128), jnp.int32),
            pltpu.VMEM((KJ, 128), jnp.int32),
            pltpu.VMEM((128, F), jnp.float32),
            pltpu.VMEM_SHARED((NPAD, F), jnp.float32),
            pltpu.SemaphoreType.DMA,
        ],
    )
    def k(h_hbm, src_hbm, dst_hbm, out_hbm, sidx, didx, rows, acc, sem):
        c = lax.axis_index("c")
        s = lax.axis_index("s")
        wid = c * 16 + s

        zero = jnp.zeros((16,), jnp.float32)

        def zrow(i, _):
            def zcol(j, _):
                rows[i, pl.ds(j * 16, 16)] = zero
                return _
            return lax.fori_loop(0, F // 16, zcol, _)
        lax.fori_loop(0, 128, zrow, None)

        def zchunk(m, _):
            pltpu.sync_copy(rows, acc.at[pl.ds(s * RPT + m * 128, 128)])
            return _
        lax.fori_loop(0, RPT // 128, zchunk, None)
        plsc.subcore_barrier()

        pltpu.sync_copy(src_hbm.at[wid], sidx)
        pltpu.sync_copy(dst_hbm.at[wid], didx)

        def body(j, _):
            pltpu.async_copy(h_hbm.at[sidx.at[j]], rows, sem).wait()
            pltpu.sync_copy(rows, acc.at[didx.at[j]], add=True)
            return _
        lax.fori_loop(0, KJ, body, None)

        plsc.subcore_barrier()

        def wb(m, _):
            r0 = s * RPT + m * 128
            pltpu.sync_copy(acc.at[pl.ds(r0, 128)], out_hbm.at[c].at[pl.ds(r0, 128)])
            return _
        lax.fori_loop(0, RPT // 128, wb, None)

    return k(h, src_b, dst_b)


def _mm_body(x_ref, w_ref, b_ref, o_ref):
    o_ref[...] = (
        jnp.dot(x_ref[...], w_ref[...], precision=_HI,
                preferred_element_type=jnp.float32) + b_ref[...])


def _mm(x, w, b):
    return pl.pallas_call(
        _mm_body,
        grid=(GRID,),
        in_specs=[
            pl.BlockSpec((BN, F), lambda i: (i, 0)),
            pl.BlockSpec((F, F), lambda i: (0, 0)),
            pl.BlockSpec((1, F), lambda i: (0, 0)),
        ],
        out_specs=pl.BlockSpec((BN, F), lambda i: (i, 0)),
        out_shape=jax.ShapeDtypeStruct((NPAD, F), jnp.float32),
    )(x, w, b)


def _house_q(m):
    a0, b0 = m[0], m[1]
    a1, b1 = m[3], m[4]
    a2, b2 = m[6], m[7]
    one = jnp.ones_like(a0)
    zero = jnp.zeros_like(a0)

    sig1 = a1 * a1 + a2 * a2
    mu1 = jnp.sqrt(a0 * a0 + sig1)
    beta1 = jnp.where(a0 >= 0, -mu1, mu1)
    nz1 = sig1 > 0
    d1 = jnp.where(nz1, a0 - beta1, one)
    tau1 = jnp.where(nz1, (beta1 - a0) / beta1, zero)
    u1 = a1 / d1
    u2 = a2 / d1

    dot1 = b0 + u1 * b1 + u2 * b2
    y1 = b1 - tau1 * u1 * dot1
    y2 = b2 - tau1 * u2 * dot1
    sig2 = y2 * y2
    mu2 = jnp.sqrt(y1 * y1 + sig2)
    beta2 = jnp.where(y1 >= 0, -mu2, mu2)
    nz2 = sig2 > 0
    d2 = jnp.where(nz2, y1 - beta2, one)
    tau2 = jnp.where(nz2, (beta2 - y1) / beta2, zero)
    w2 = y2 / d2

    h11 = 1.0 - tau2
    h12 = -tau2 * w2
    h22 = 1.0 - tau2 * w2 * w2

    def apply_h1(x0, x1, x2):
        d = x0 + u1 * x1 + u2 * x2
        return x0 - tau1 * d, x1 - tau1 * u1 * d, x2 - tau1 * u2 * d

    q00, q10, q20 = apply_h1(one, zero, zero)
    q01, q11, q21 = apply_h1(zero, h11, h12)
    q02, q12, q22 = apply_h1(zero, h12, h22)
    return [q00, q01, q02, q10, q11, q12, q20, q21, q22]


def _layer_body(p_ref, rp_ref, t_ref, pos_ref, wn_ref, bn_ref, wc_ref, bc_ref,
                h_ref, rn_ref, tn_ref, posn_ref):
    agg = p_ref[0] + p_ref[1]
    h_ref[...] = (
        jnp.dot(agg, wn_ref[...], precision=_HI,
                preferred_element_type=jnp.float32) + bn_ref[...])
    upd = (jnp.dot(agg, wc_ref[...], precision=_HI,
                   preferred_element_type=jnp.float32) + bc_ref[...])
    coord = upd[:, 0:1]
    rotm = [upd[:, 1 + k:2 + k] for k in range(9)]
    q = _house_q(rotm)
    for r in range(3):
        for c in range(3):
            acc = q[3 * r + 0] * rp_ref[:, 0 + c:1 + c]
            acc = acc + q[3 * r + 1] * rp_ref[:, 3 + c:4 + c]
            acc = acc + q[3 * r + 2] * rp_ref[:, 6 + c:7 + c]
            rn_ref[:, 3 * r + c:3 * r + c + 1] = acc
    tn_ref[...] = t_ref[...] + upd[:, 10:13]
    posn_ref[...] = pos_ref[...] + coord


def _layer(p, r_prev, t_prev, pos_prev, w_next, b_next, w_cat, b_cat):
    return pl.pallas_call(
        _layer_body,
        grid=(GRID,),
        in_specs=[
            pl.BlockSpec((2, BN, F), lambda i: (0, i, 0)),
            pl.BlockSpec((BN, 9), lambda i: (i, 0)),
            pl.BlockSpec((BN, D), lambda i: (i, 0)),
            pl.BlockSpec((BN, D), lambda i: (i, 0)),
            pl.BlockSpec((F, F), lambda i: (0, 0)),
            pl.BlockSpec((1, F), lambda i: (0, 0)),
            pl.BlockSpec((F, 16), lambda i: (0, 0)),
            pl.BlockSpec((1, 16), lambda i: (0, 0)),
        ],
        out_specs=[
            pl.BlockSpec((BN, F), lambda i: (i, 0)),
            pl.BlockSpec((BN, 9), lambda i: (i, 0)),
            pl.BlockSpec((BN, D), lambda i: (i, 0)),
            pl.BlockSpec((BN, D), lambda i: (i, 0)),
        ],
        out_shape=[
            jax.ShapeDtypeStruct((NPAD, F), jnp.float32),
            jax.ShapeDtypeStruct((NPAD, 9), jnp.float32),
            jax.ShapeDtypeStruct((NPAD, D), jnp.float32),
            jax.ShapeDtypeStruct((NPAD, D), jnp.float32),
        ],
    )(p, r_prev, t_prev, pos_prev, w_next, b_next, w_cat, b_cat)


def kernel(x, edge_index, pos, params, W_fc, b_fc):
    src = edge_index[0].astype(jnp.int32)
    dst = edge_index[1].astype(jnp.int32)
    epad = EPAD - src.shape[0]
    src_b = jnp.concatenate(
        [src, (jnp.arange(epad, dtype=jnp.int32) * 131) % N]).reshape(NW, KJ, 128)
    dst_b = jnp.concatenate(
        [dst, jnp.full((epad,), NPAD - 1, jnp.int32)]).reshape(NW, KJ, 128)

    xp = jnp.zeros((NPAD, F), jnp.float32).at[:N].set(x)
    posp = jnp.zeros((NPAD, D), jnp.float32).at[:N].set(pos)
    r_flat = jnp.broadcast_to(
        jnp.eye(D, dtype=jnp.float32).reshape(1, 9), (NPAD, 9))
    t = jnp.zeros((NPAD, D), jnp.float32)

    h = _mm(xp, params[0]['W_lin'], params[0]['b_lin'].reshape(1, F))
    for l in range(4):
        p = _sc_segsum(h, src_b, dst_b)
        if l < 3:
            w_next = params[l + 1]['W_lin']
            b_next = params[l + 1]['b_lin'].reshape(1, F)
        else:
            w_next = W_fc
            b_next = b_fc.reshape(1, F)
        pr = params[l]
        w_cat = jnp.concatenate(
            [pr['W_coord'], pr['W_rot'], pr['W_trans'],
             jnp.zeros((F, 3), jnp.float32)], axis=1)
        b_cat = jnp.concatenate(
            [pr['b_coord'], pr['b_rot'], pr['b_trans'],
             jnp.zeros((3,), jnp.float32)]).reshape(1, 16)
        h, r_flat, t, posp = _layer(
            p, r_flat, t, posp, w_next, b_next, w_cat, b_cat)

    return (h[:N], posp[:N], r_flat[:N].reshape(N, D, D), t[:N])

# --- scband reference (transcript-rebuilt; emitter-appended) ---
"""Pipeline reference for scband-stacked-senegnn-37168646980028 (READ-ONLY COPY).

The authoritative reference and input builder live on the scoring server;
editing this copy changes nothing except your own understanding.
"""

import jax, jax.numpy as jnp
import numpy as np

N = 10000
E = 320000
IN_DIM = 128
HID = 128
D = 3
LAYERS = 4


def _make_params(key):
    params = []
    for l in range(LAYERS):
        k = jax.random.fold_in(key, l)
        ks = jax.random.split(k, 8)
        in_dim = IN_DIM if l == 0 else HID
        p = {
            'W_lin': jax.random.normal(ks[0], (in_dim, HID), dtype=jnp.float32) * 0.05,
            'b_lin': jax.random.uniform(ks[1], (HID,), dtype=jnp.float32, minval=-0.05, maxval=0.05),
            'W_coord': jax.random.normal(ks[2], (HID, 1), dtype=jnp.float32) * 0.05,
            'b_coord': jax.random.uniform(ks[3], (1,), dtype=jnp.float32, minval=-0.05, maxval=0.05),
            'W_rot': jax.random.normal(ks[4], (HID, D * D), dtype=jnp.float32) * 0.05,
            'b_rot': jax.random.uniform(ks[5], (D * D,), dtype=jnp.float32, minval=-0.05, maxval=0.05),
            'W_trans': jax.random.normal(ks[6], (HID, D), dtype=jnp.float32) * 0.05,
            'b_trans': jax.random.uniform(ks[7], (D,), dtype=jnp.float32, minval=-0.05, maxval=0.05),
        }
        params.append(p)
    return params


def setup_inputs(seed: int = 0) -> dict:
    key = jax.random.key(seed)
    k_x, k_e, k_p, k_w, k_fc = jax.random.split(key, 5)
    x = jax.random.normal(k_x, (N, IN_DIM), dtype=jnp.float32)
    edge_index = jax.random.randint(k_e, (2, E), 0, N, dtype=jnp.int64)
    pos = jax.random.normal(k_p, (N, D), dtype=jnp.float32)
    params = _make_params(k_w)
    kf1, kf2 = jax.random.split(k_fc)
    W_fc = jax.random.normal(kf1, (HID, HID), dtype=jnp.float32) * 0.05
    b_fc = jax.random.uniform(kf2, (HID,), dtype=jnp.float32, minval=-0.05, maxval=0.05)
    return {'x': x, 'edge_index': edge_index, 'pos': pos, 'params': params, 'W_fc': W_fc, 'b_fc': b_fc}


def reference(x, edge_index, pos, params, W_fc, b_fc):
    n = x.shape[0]
    # default R = identity per node, default t = zeros (as in layer forward when None)
    R = jnp.broadcast_to(jnp.eye(D, dtype=x.dtype), (n, D, D))
    t = jnp.zeros_like(pos)
    src = edge_index[0]
    dst = edge_index[1]
    for p in params:
        # h = self.linear[edge_type](x)
        h = x @ p['W_lin'] + p['b_lin']
        # propagate with aggr='add': message = h_j (source), scatter-add at dst
        out = jax.ops.segment_sum(h[src], dst, num_segments=n)
        coord_update = out @ p['W_coord'] + p['b_coord']
        R_update = (out @ p['W_rot'] + p['b_rot']).reshape(-1, D, D)
        t_update = out @ p['W_trans'] + p['b_trans']
        Q, _ = jnp.linalg.qr(R_update)
        R = jnp.matmul(Q, R)
        t = t + t_update
        pos = pos + coord_update  # broadcast (N,1) over coord_dim
        x = out
    z = x @ W_fc + b_fc
    return (z, pos, R, t)

if __name__ == "__main__":
    import jax
    _d = setup_inputs()
    print(jax.jit(kernel)(*tuple(_d.values())))

</pallas_src>

<mosaic_0001>
#map = affine_map<(d0, d1) -> (0, 0)>
#map1 = affine_map<(d0, d1) -> (0, 0, 0)>
module attributes {stable_mosaic.version = 14 : i64} {
  func.func @k(%arg0: i32, %arg1: i32, %arg2: memref<10240x128xf32, #tpu.memory_space<hbm>>, %arg3: memref<32x79x128xi32, #tpu.memory_space<hbm>>, %arg4: memref<32x79x128xi32, #tpu.memory_space<hbm>>, %arg5: memref<2x10240x128xf32, #tpu.memory_space<hbm>>, %arg6: memref<79x128xi32, #tpu.memory_space<vmem>>, %arg7: memref<79x128xi32, #tpu.memory_space<vmem>>, %arg8: memref<128x128xf32, #tpu.memory_space<vmem>>, %arg9: memref<10240x128xf32, #tpu.memory_space<vmem_shared>>, %arg10: memref<!tpu.dma_semaphore, #tpu.memory_space<semaphore_mem>>) attributes {dimension_semantics = [#tpu.dimension_semantics<core_parallel>, #tpu.dimension_semantics<subcore_parallel>], iteration_bounds = array<i64: 2, 16>, scalar_prefetch = 0 : i64, scratch_operands = 5 : i64, tpu.core_type = #tpu.core_type<sc_vector_subcore>, window_params = [{transform_indices = #map}, {transform_indices = #map1}, {transform_indices = #map1}, {transform_indices = #map1}]} {
    %mul3A = arith.constant 16 : i32
    %mul3A_0 = arith.muli %arg0, %mul3A : i32
    %add3A = arith.addi %mul3A_0, %arg1 : i32
    %broadcast_in_dim3A = arith.constant 0.000000e+00 : f32
    %broadcast_in_dim3A_1 = vector.broadcast %broadcast_in_dim3A : f32 to vector<16xf32>
    %scan3A = arith.constant 0 : i32
    %scan3A_2 = arith.constant 128 : i32
    %scan3A_3 = arith.addi %scan3A, %scan3A_2 : i32
    %scan3A_4 = arith.constant 1 : i32
    scf.for %scan3A_22 = %scan3A to %scan3A_3 step %scan3A_4  : i32 {
      %scan3A_23 = arith.constant 0 : i32
      %scan3A_24 = arith.constant 8 : i32
      %scan3A_25 = arith.addi %scan3A_23, %scan3A_24 : i32
      %scan3A_26 = arith.constant 1 : i32
      scf.for %scan3A_28 = %scan3A_23 to %scan3A_25 step %scan3A_26  : i32 {
        %mul3A_29 = arith.constant 16 : i32
        %mul3A_30 = arith.muli %scan3A_28, %mul3A_29 : i32
        %swap3A = arith.index_cast %scan3A_22 : i32 to index
        %swap3A_31 = arith.index_cast %mul3A_30 : i32 to index
        %swap3A_32 = tpu.vector_load %arg8[%swap3A, %swap3A_31] {strides = array<i32>} : memref<128x128xf32, #tpu.memory_space<vmem>>, vector<1x16xf32>,
        %swap3A_33 = vector.shape_cast %swap3A_32 : vector<1x16xf32> to vector<16xf32>
        %swap3A_34 = vector.shape_cast %broadcast_in_dim3A_1 : vector<16xf32> to vector<1x16xf32>
        tpu.vector_store %arg8[%swap3A, %swap3A_31], %swap3A_34 {strides = array<i32>} : memref<128x128xf32, #tpu.memory_space<vmem>>, vector<1x16xf32>,
      }
      %scan3A_27 = arith.constant 8 : i32
    }
    %scan3A_5 = arith.constant 128 : i32
    %scan3A_6 = arith.constant 0 : i32
    %scan3A_7 = arith.constant 5 : i32
    %scan3A_8 = arith.addi %scan3A_6, %scan3A_7 : i32
    %scan3A_9 = arith.constant 1 : i32
    scf.for %scan3A_22 = %scan3A_6 to %scan3A_8 step %scan3A_9  : i32 {
      %mul3A_23 = arith.constant 640 : i32
      %mul3A_24 = arith.muli %arg1, %mul3A_23 : i32
      %mul3A_25 = arith.constant 128 : i32
      %mul3A_26 = arith.muli %scan3A_22, %mul3A_25 : i32
      %add3A_27 = arith.addi %mul3A_24, %mul3A_26 : i32
      "tpu.region"() ({
        %run_scoped3A = tpu.sem_alloc : memref<!tpu.dma_semaphore, #tpu.memory_space<semaphore_mem>>
        %dma_start3A = arith.constant 0 : i32
        %dma_start3A_28 = tpu.memref_slice %arg9[%add3A_27, %dma_start3A] : memref<10240x128xf32, #tpu.memory_space<vmem_shared>> -> memref<128x128xf32, #tpu.memory_space<vmem_shared>>
        %dma_start3A_29 = arith.constant 0 : i32
        %dma_start3A_30 = tpu.memref_slice %arg9[%add3A_27, %dma_start3A_29] : memref<10240x128xf32, #tpu.memory_space<vmem_shared>> -> memref<128x128xf32, #tpu.memory_space<vmem_shared>>
        tpu.enqueue_dma source(%arg8 : memref<128x128xf32, #tpu.memory_space<vmem>>) target(%dma_start3A_30 : memref<128x128xf32, #tpu.memory_space<vmem_shared>>) target_semaphore(%run_scoped3A : memref<!tpu.dma_semaphore, #tpu.memory_space<semaphore_mem>>)
        %dma_wait3A = arith.constant 0 : i32
        %dma_wait3A_31 = tpu.memref_slice %arg9[%add3A_27, %dma_wait3A] : memref<10240x128xf32, #tpu.memory_space<vmem_shared>> -> memref<128x128xf32, #tpu.memory_space<vmem_shared>>
        %dma_wait3A_32 = arith.constant 0 : i32
        %dma_wait3A_33 = tpu.memref_slice %arg9[%add3A_27, %dma_wait3A_32] : memref<10240x128xf32, #tpu.memory_space<vmem_shared>> -> memref<128x128xf32, #tpu.memory_space<vmem_shared>>
        tpu.wait_dma2 semaphore(%run_scoped3A : memref<!tpu.dma_semaphore, #tpu.memory_space<semaphore_mem>>) src(%arg8 : memref<128x128xf32, #tpu.memory_space<vmem>>) dst(%dma_wait3A_33 : memref<128x128xf32, #tpu.memory_space<vmem_shared>>)
        tpu.yield
      }) : () -> ()
    }
    %scan3A_10 = arith.constant 5 : i32
    %barrier3A = arith.constant 0 : index
    tpu.barrier barrier_id(%barrier3A)
    "tpu.region"() ({
      %run_scoped3A = tpu.sem_alloc : memref<!tpu.dma_semaphore, #tpu.memory_space<semaphore_mem>>
      %dma_start3A = arith.constant 0 : i32
      %dma_start3A_22 = arith.constant 0 : i32
      %dma_start3A_23 = tpu.memref_slice %arg3[%add3A, %dma_start3A, %dma_start3A_22] : memref<32x79x128xi32, #tpu.memory_space<hbm>> -> memref<1x79x128xi32, #tpu.memory_space<hbm>>
      %dma_start3A_24 = tpu.memref_squeeze %dma_start3A_23 : memref<1x79x128xi32, #tpu.memory_space<hbm>> -> memref<79x128xi32, #tpu.memory_space<hbm>>
      %dma_start3A_25 = arith.constant 0 : i32
      %dma_start3A_26 = arith.constant 0 : i32
      %dma_start3A_27 = tpu.memref_slice %arg3[%add3A, %dma_start3A_25, %dma_start3A_26] : memref<32x79x128xi32, #tpu.memory_space<hbm>> -> memref<1x79x128xi32, #tpu.memory_space<hbm>>
      %dma_start3A_28 = tpu.memref_squeeze %dma_start3A_27 : memref<1x79x128xi32, #tpu.memory_space<hbm>> -> memref<79x128xi32, #tpu.memory_space<hbm>>
      tpu.enqueue_dma source(%dma_start3A_28 : memref<79x128xi32, #tpu.memory_space<hbm>>) target(%arg6 : memref<79x128xi32, #tpu.memory_space<vmem>>) target_semaphore(%run_scoped3A : memref<!tpu.dma_semaphore, #tpu.memory_space<semaphore_mem>>)
      %dma_wait3A = arith.constant 0 : i32
      %dma_wait3A_29 = arith.constant 0 : i32
      %dma_wait3A_30 = tpu.memref_slice %arg3[%add3A, %dma_wait3A, %dma_wait3A_29] : memref<32x79x128xi32, #tpu.memory_space<hbm>> -> memref<1x79x128xi32, #tpu.memory_space<hbm>>
      %dma_wait3A_31 = tpu.memref_squeeze %dma_wait3A_30 : memref<1x79x128xi32, #tpu.memory_space<hbm>> -> memref<79x128xi32, #tpu.memory_space<hbm>>
      %dma_wait3A_32 = arith.constant 0 : i32
      %dma_wait3A_33 = arith.constant 0 : i32
      %dma_wait3A_34 = tpu.memref_slice %arg3[%add3A, %dma_wait3A_32, %dma_wait3A_33] : memref<32x79x128xi32, #tpu.memory_space<hbm>> -> memref<1x79x128xi32, #tpu.memory_space<hbm>>
      %dma_wait3A_35 = tpu.memref_squeeze %dma_wait3A_34 : memref<1x79x128xi32, #tpu.memory_space<hbm>> -> memref<79x128xi32, #tpu.memory_space<hbm>>
      tpu.wait_dma2 semaphore(%run_scoped3A : memref<!tpu.dma_semaphore, #tpu.memory_space<semaphore_mem>>) src(%dma_wait3A_35 : memref<79x128xi32, #tpu.memory_space<hbm>>) dst(%arg6 : memref<79x128xi32, #tpu.memory_space<vmem>>)
      tpu.yield
    }) : () -> ()
    "tpu.region"() ({
      %run_scoped3A = tpu.sem_alloc : memref<!tpu.dma_semaphore, #tpu.memory_space<semaphore_mem>>
      %dma_start3A = arith.constant 0 : i32
      %dma_start3A_22 = arith.constant 0 : i32
      %dma_start3A_23 = tpu.memref_slice %arg4[%add3A, %dma_start3A, %dma_start3A_22] : memref<32x79x128xi32, #tpu.memory_space<hbm>> -> memref<1x79x128xi32, #tpu.memory_space<hbm>>
      %dma_start3A_24 = tpu.memref_squeeze %dma_start3A_23 : memref<1x79x128xi32, #tpu.memory_space<hbm>> -> memref<79x128xi32, #tpu.memory_space<hbm>>
      %dma_start3A_25 = arith.constant 0 : i32
      %dma_start3A_26 = arith.constant 0 : i32
      %dma_start3A_27 = tpu.memref_slice %arg4[%add3A, %dma_start3A_25, %dma_start3A_26] : memref<32x79x128xi32, #tpu.memory_space<hbm>> -> memref<1x79x128xi32, #tpu.memory_space<hbm>>
      %dma_start3A_28 = tpu.memref_squeeze %dma_start3A_27 : memref<1x79x128xi32, #tpu.memory_space<hbm>> -> memref<79x128xi32, #tpu.memory_space<hbm>>
      tpu.enqueue_dma source(%dma_start3A_28 : memref<79x128xi32, #tpu.memory_space<hbm>>) target(%arg7 : memref<79x128xi32, #tpu.memory_space<vmem>>) target_semaphore(%run_scoped3A : memref<!tpu.dma_semaphore, #tpu.memory_space<semaphore_mem>>)
      %dma_wait3A = arith.constant 0 : i32
      %dma_wait3A_29 = arith.constant 0 : i32
      %dma_wait3A_30 = tpu.memref_slice %arg4[%add3A, %dma_wait3A, %dma_wait3A_29] : memref<32x79x128xi32, #tpu.memory_space<hbm>> -> memref<1x79x128xi32, #tpu.memory_space<hbm>>
      %dma_wait3A_31 = tpu.memref_squeeze %dma_wait3A_30 : memref<1x79x128xi32, #tpu.memory_space<hbm>> -> memref<79x128xi32, #tpu.memory_space<hbm>>
      %dma_wait3A_32 = arith.constant 0 : i32
      %dma_wait3A_33 = arith.constant 0 : i32
      %dma_wait3A_34 = tpu.memref_slice %arg4[%add3A, %dma_wait3A_32, %dma_wait3A_33] : memref<32x79x128xi32, #tpu.memory_space<hbm>> -> memref<1x79x128xi32, #tpu.memory_space<hbm>>
      %dma_wait3A_35 = tpu.memref_squeeze %dma_wait3A_34 : memref<1x79x128xi32, #tpu.memory_space<hbm>> -> memref<79x128xi32, #tpu.memory_space<hbm>>
      tpu.wait_dma2 semaphore(%run_scoped3A : memref<!tpu.dma_semaphore, #tpu.memory_space<semaphore_mem>>) src(%dma_wait3A_35 : memref<79x128xi32, #tpu.memory_space<hbm>>) dst(%arg7 : memref<79x128xi32, #tpu.memory_space<vmem>>)
      tpu.yield
    }) : () -> ()
    %scan3A_11 = arith.constant 0 : i32
    %scan3A_12 = arith.constant 79 : i32
    %scan3A_13 = arith.addi %scan3A_11, %scan3A_12 : i32
    %scan3A_14 = arith.constant 1 : i32
    scf.for %scan3A_22 = %scan3A_11 to %scan3A_13 step %scan3A_14  : i32 {
      %dma_start3A = arith.constant 0 : i32
      %dma_start3A_23 = tpu.memref_slice %arg6[%scan3A_22, %dma_start3A] : memref<79x128xi32, #tpu.memory_space<vmem>> -> memref<1x128xi32, #tpu.memory_space<vmem>>
      %dma_start3A_24 = tpu.memref_squeeze %dma_start3A_23 : memref<1x128xi32, #tpu.memory_space<vmem>> -> memref<128xi32, #tpu.memory_space<vmem>>
      %dma_start3A_25 = arith.constant 0 : i32
      %dma_start3A_26 = arith.constant 0 : i32
      %dma_start3A_27 = tpu.memref_slice %arg2[%dma_start3A_25, %dma_start3A_26] : memref<10240x128xf32, #tpu.memory_space<hbm>> -> memref<10240x128xf32, #tpu.memory_space<hbm>>
      tpu.enqueue_indirect_dma source(%dma_start3A_27 : memref<10240x128xf32, #tpu.memory_space<hbm>>) target(%arg8 : memref<128x128xf32, #tpu.memory_space<vmem>>) offsets(%dma_start3A_24 : memref<128xi32, #tpu.memory_space<vmem>>) semaphore(%arg10 : memref<!tpu.dma_semaphore, #tpu.memory_space<semaphore_mem>>)
      %dma_wait3A = arith.constant 0 : i32
      %dma_wait3A_28 = tpu.memref_slice %arg6[%scan3A_22, %dma_wait3A] : memref<79x128xi32, #tpu.memory_space<vmem>> -> memref<1x128xi32, #tpu.memory_space<vmem>>
      %dma_wait3A_29 = tpu.memref_squeeze %dma_wait3A_28 : memref<1x128xi32, #tpu.memory_space<vmem>> -> memref<128xi32, #tpu.memory_space<vmem>>
      %dma_wait3A_30 = arith.constant 0 : i32
      %dma_wait3A_31 = arith.constant 0 : i32
      %dma_wait3A_32 = tpu.memref_slice %arg2[%dma_wait3A_30, %dma_wait3A_31] : memref<10240x128xf32, #tpu.memory_space<hbm>> -> memref<10240x128xf32, #tpu.memory_space<hbm>>
      tpu.wait_indirect_dma semaphore(%arg10 : memref<!tpu.dma_semaphore, #tpu.memory_space<semaphore_mem>>) src(%dma_wait3A_32 : memref<10240x128xf32, #tpu.memory_space<hbm>>) dst(%arg8 : memref<128x128xf32, #tpu.memory_space<vmem>>)
      "tpu.region"() ({
        %run_scoped3A = tpu.sem_alloc : memref<!tpu.dma_semaphore, #tpu.memory_space<semaphore_mem>>
        %dma_start3A_33 = arith.constant 0 : i32
        %dma_start3A_34 = tpu.memref_slice %arg7[%scan3A_22, %dma_start3A_33] : memref<79x128xi32, #tpu.memory_space<vmem>> -> memref<1x128xi32, #tpu.memory_space<vmem>>
        %dma_start3A_35 = tpu.memref_squeeze %dma_start3A_34 : memref<1x128xi32, #tpu.memory_space<vmem>> -> memref<128xi32, #tpu.memory_space<vmem>>
        %dma_start3A_36 = arith.constant 0 : i32
        %dma_start3A_37 = arith.constant 0 : i32
        %dma_start3A_38 = tpu.memref_slice %arg9[%dma_start3A_36, %dma_start3A_37] : memref<10240x128xf32, #tpu.memory_space<vmem_shared>> -> memref<10240x128xf32, #tpu.memory_space<vmem_shared>>
        tpu.enqueue_indirect_dma source(%arg8 : memref<128x128xf32, #tpu.memory_space<vmem>>) target(%dma_start3A_38 : memref<10240x128xf32, #tpu.memory_space<vmem_shared>>) offsets(%dma_start3A_35 : memref<128xi32, #tpu.memory_space<vmem>>) semaphore(%run_scoped3A : memref<!tpu.dma_semaphore, #tpu.memory_space<semaphore_mem>>) {add = true}
        %dma_wait3A_39 = arith.constant 0 : i32
        %dma_wait3A_40 = tpu.memref_slice %arg7[%scan3A_22, %dma_wait3A_39] : memref<79x128xi32, #tpu.memory_space<vmem>> -> memref<1x128xi32, #tpu.memory_space<vmem>>
        %dma_wait3A_41 = tpu.memref_squeeze %dma_wait3A_40 : memref<1x128xi32, #tpu.memory_space<vmem>> -> memref<128xi32, #tpu.memory_space<vmem>>
        %dma_wait3A_42 = arith.constant 0 : i32
        %dma_wait3A_43 = arith.constant 0 : i32
        %dma_wait3A_44 = tpu.memref_slice %arg9[%dma_wait3A_42, %dma_wait3A_43] : memref<10240x128xf32, #tpu.memory_space<vmem_shared>> -> memref<10240x128xf32, #tpu.memory_space<vmem_shared>>
        tpu.wait_indirect_dma semaphore(%run_scoped3A : memref<!tpu.dma_semaphore, #tpu.memory_space<semaphore_mem>>) src(%arg8 : memref<128x128xf32, #tpu.memory_space<vmem>>) dst(%dma_wait3A_44 : memref<10240x128xf32, #tpu.memory_space<vmem_shared>>)
        tpu.yield
      }) : () -> ()
    }
    %scan3A_15 = arith.constant 79 : i32
    %barrier3A_16 = arith.constant 0 : index
    tpu.barrier barrier_id(%barrier3A_16)
    %scan3A_17 = arith.constant 0 : i32
    %scan3A_18 = arith.constant 5 : i32
    %scan3A_19 = arith.addi %scan3A_17, %scan3A_18 : i32
    %scan3A_20 = arith.constant 1 : i32
    scf.for %scan3A_22 = %scan3A_17 to %scan3A_19 step %scan3A_20  : i32 {
      %mul3A_23 = arith.constant 640 : i32
      %mul3A_24 = arith.muli %arg1, %mul3A_23 : i32
      %mul3A_25 = arith.constant 128 : i32
      %mul3A_26 = arith.muli %scan3A_22, %mul3A_25 : i32
      %add3A_27 = arith.addi %mul3A_24, %mul3A_26 : i32
      "tpu.region"() ({
        %run_scoped3A = tpu.sem_alloc : memref<!tpu.dma_semaphore, #tpu.memory_space<semaphore_mem>>
        %dma_start3A = arith.constant 0 : i32
        %dma_start3A_28 = arith.constant 0 : i32
        %dma_start3A_29 = tpu.memref_slice %arg5[%arg0, %dma_start3A, %dma_start3A_28] : memref<2x10240x128xf32, #tpu.memory_space<hbm>> -> memref<1x10240x128xf32, #tpu.memory_space<hbm>>
        %dma_start3A_30 = tpu.memref_squeeze %dma_start3A_29 : memref<1x10240x128xf32, #tpu.memory_space<hbm>> -> memref<10240x128xf32, #tpu.memory_space<hbm>>
        %dma_start3A_31 = arith.constant 0 : i32
        %dma_start3A_32 = tpu.memref_slice %dma_start3A_30[%add3A_27, %dma_start3A_31] : memref<10240x128xf32, #tpu.memory_space<hbm>> -> memref<128x128xf32, #tpu.memory_space<hbm>>
        %dma_start3A_33 = arith.constant 0 : i32
        %dma_start3A_34 = tpu.memref_slice %arg9[%add3A_27, %dma_start3A_33] : memref<10240x128xf32, #tpu.memory_space<vmem_shared>> -> memref<128x128xf32, #tpu.memory_space<vmem_shared>>
        tpu.enqueue_dma source(%dma_start3A_34 : memref<128x128xf32, #tpu.memory_space<vmem_shared>>) target(%dma_start3A_32 : memref<128x128xf32, #tpu.memory_space<hbm>>) target_semaphore(%run_scoped3A : memref<!tpu.dma_semaphore, #tpu.memory_space<semaphore_mem>>)
        %dma_wait3A = arith.constant 0 : i32
        %dma_wait3A_35 = arith.constant 0 : i32
        %dma_wait3A_36 = tpu.memref_slice %arg5[%arg0, %dma_wait3A, %dma_wait3A_35] : memref<2x10240x128xf32, #tpu.memory_space<hbm>> -> memref<1x10240x128xf32, #tpu.memory_space<hbm>>
        %dma_wait3A_37 = tpu.memref_squeeze %dma_wait3A_36 : memref<1x10240x128xf32, #tpu.memory_space<hbm>> -> memref<10240x128xf32, #tpu.memory_space<hbm>>
        %dma_wait3A_38 = arith.constant 0 : i32
        %dma_wait3A_39 = tpu.memref_slice %dma_wait3A_37[%add3A_27, %dma_wait3A_38] : memref<10240x128xf32, #tpu.memory_space<hbm>> -> memref<128x128xf32, #tpu.memory_space<hbm>>
        %dma_wait3A_40 = arith.constant 0 : i32
        %dma_wait3A_41 = tpu.memref_slice %arg9[%add3A_27, %dma_wait3A_40] : memref<10240x128xf32, #tpu.memory_space<vmem_shared>> -> memref<128x128xf32, #tpu.memory_space<vmem_shared>>
        tpu.wait_dma2 semaphore(%run_scoped3A : memref<!tpu.dma_semaphore, #tpu.memory_space<semaphore_mem>>) src(%dma_wait3A_41 : memref<128x128xf32, #tpu.memory_space<vmem_shared>>) dst(%dma_wait3A_39 : memref<128x128xf32, #tpu.memory_space<hbm>>)
        tpu.yield
      }) : () -> ()
    }
    %scan3A_21 = arith.constant 5 : i32
    return
  }
}

#map = affine_map<(d0, d1) -> (0, 0)>
#map1 = affine_map<(d0, d1) -> (0, 0, 0)>
module attributes {stable_mosaic.version = 14 : i64} {
  func.func @k(%arg0: i32, %arg1: i32, %arg2: memref<10240x128xf32, #tpu.memory_space<hbm>>, %arg3: memref<32x79x128xi32, #tpu.memory_space<hbm>>, %arg4: memref<32x79x128xi32, #tpu.memory_space<hbm>>, %arg5: memref<2x10240x128xf32, #tpu.memory_space<hbm>>, %arg6: memref<79x128xi32, #tpu.memory_space<vmem>>, %arg7: memref<79x128xi32, #tpu.memory_space<vmem>>, %arg8: memref<128x128xf32, #tpu.memory_space<vmem>>, %arg9: memref<10240x128xf32, #tpu.memory_space<vmem_shared>>, %arg10: memref<!tpu.dma_semaphore, #tpu.memory_space<semaphore_mem>>) attributes {dimension_semantics = [#tpu.dimension_semantics<core_parallel>, #tpu.dimension_semantics<subcore_parallel>], iteration_bounds = array<i64: 2, 16>, scalar_prefetch = 0 : i64, scratch_operands = 5 : i64, tpu.core_type = #tpu.core_type<sc_vector_subcore>, window_params = [{transform_indices = #map}, {transform_indices = #map1}, {transform_indices = #map1}, {transform_indices = #map1}]} {
    %mul3A = arith.constant 16 : i32
    %mul3A_0 = arith.muli %arg0, %mul3A : i32
    %add3A = arith.addi %mul3A_0, %arg1 : i32
    %broadcast_in_dim3A = arith.constant 0.000000e+00 : f32
    %broadcast_in_dim3A_1 = vector.broadcast %broadcast_in_dim3A : f32 to vector<16xf32>
    %scan3A = arith.constant 0 : i32
    %scan3A_2 = arith.constant 128 : i32
    %scan3A_3 = arith.addi %scan3A, %scan3A_2 : i32
    %scan3A_4 = arith.constant 1 : i32
    scf.for %scan3A_22 = %scan3A to %scan3A_3 step %scan3A_4  : i32 {
      %scan3A_23 = arith.constant 0 : i32
      %scan3A_24 = arith.constant 8 : i32
      %scan3A_25 = arith.addi %scan3A_23, %scan3A_24 : i32
      %scan3A_26 = arith.constant 1 : i32
      scf.for %scan3A_28 = %scan3A_23 to %scan3A_25 step %scan3A_26  : i32 {
        %mul3A_29 = arith.constant 16 : i32
        %mul3A_30 = arith.muli %scan3A_28, %mul3A_29 : i32
        %swap3A = arith.index_cast %scan3A_22 : i32 to index
        %swap3A_31 = arith.index_cast %mul3A_30 : i32 to index
        %swap3A_32 = tpu.vector_load %arg8[%swap3A, %swap3A_31] {strides = array<i32>} : memref<128x128xf32, #tpu.memory_space<vmem>>, vector<1x16xf32>,
        %swap3A_33 = vector.shape_cast %swap3A_32 : vector<1x16xf32> to vector<16xf32>
        %swap3A_34 = vector.shape_cast %broadcast_in_dim3A_1 : vector<16xf32> to vector<1x16xf32>
        tpu.vector_store %arg8[%swap3A, %swap3A_31], %swap3A_34 {strides = array<i32>} : memref<128x128xf32, #tpu.memory_space<vmem>>, vector<1x16xf32>,
      }
      %scan3A_27 = arith.constant 8 : i32
    }
    %scan3A_5 = arith.constant 128 : i32
    %scan3A_6 = arith.constant 0 : i32
    %scan3A_7 = arith.constant 5 : i32
    %scan3A_8 = arith.addi %scan3A_6, %scan3A_7 : i32
    %scan3A_9 = arith.constant 1 : i32
    scf.for %scan3A_22 = %scan3A_6 to %scan3A_8 step %scan3A_9  : i32 {
      %mul3A_23 = arith.constant 640 : i32
      %mul3A_24 = arith.muli %arg1, %mul3A_23 : i32
      %mul3A_25 = arith.constant 128 : i32
      %mul3A_26 = arith.muli %scan3A_22, %mul3A_25 : i32
      %add3A_27 = arith.addi %mul3A_24, %mul3A_26 : i32
      "tpu.region"() ({
        %run_scoped3A = tpu.sem_alloc : memref<!tpu.dma_semaphore, #tpu.memory_space<semaphore_mem>>
        %dma_start3A = arith.constant 0 : i32
        %dma_start3A_28 = tpu.memref_slice %arg9[%add3A_27, %dma_start3A] : memref<10240x128xf32, #tpu.memory_space<vmem_shared>> -> memref<128x128xf32, #tpu.memory_space<vmem_shared>>
        %dma_start3A_29 = arith.constant 0 : i32
        %dma_start3A_30 = tpu.memref_slice %arg9[%add3A_27, %dma_start3A_29] : memref<10240x128xf32, #tpu.memory_space<vmem_shared>> -> memref<128x128xf32, #tpu.memory_space<vmem_shared>>
        tpu.enqueue_dma source(%arg8 : memref<128x128xf32, #tpu.memory_space<vmem>>) target(%dma_start3A_30 : memref<128x128xf32, #tpu.memory_space<vmem_shared>>) target_semaphore(%run_scoped3A : memref<!tpu.dma_semaphore, #tpu.memory_space<semaphore_mem>>)
        %dma_wait3A = arith.constant 0 : i32
        %dma_wait3A_31 = tpu.memref_slice %arg9[%add3A_27, %dma_wait3A] : memref<10240x128xf32, #tpu.memory_space<vmem_shared>> -> memref<128x128xf32, #tpu.memory_space<vmem_shared>>
        %dma_wait3A_32 = arith.constant 0 : i32
        %dma_wait3A_33 = tpu.memref_slice %arg9[%add3A_27, %dma_wait3A_32] : memref<10240x128xf32, #tpu.memory_space<vmem_shared>> -> memref<128x128xf32, #tpu.memory_space<vmem_shared>>
        tpu.wait_dma2 semaphore(%run_scoped3A : memref<!tpu.dma_semaphore, #tpu.memory_space<semaphore_mem>>) src(%arg8 : memref<128x128xf32, #tpu.memory_space<vmem>>) dst(%dma_wait3A_33 : memref<128x128xf32, #tpu.memory_space<vmem_shared>>)
        tpu.yield
      }) : () -> ()
    }
    %scan3A_10 = arith.constant 5 : i32
    %barrier3A = arith.constant 0 : index
    tpu.barrier barrier_id(%barrier3A)
    "tpu.region"() ({
      %run_scoped3A = tpu.sem_alloc : memref<!tpu.dma_semaphore, #tpu.memory_space<semaphore_mem>>
      %dma_start3A = arith.constant 0 : i32
      %dma_start3A_22 = arith.constant 0 : i32
      %dma_start3A_23 = tpu.memref_slice %arg3[%add3A, %dma_start3A, %dma_start3A_22] : memref<32x79x128xi32, #tpu.memory_space<hbm>> -> memref<1x79x128xi32, #tpu.memory_space<hbm>>
      %dma_start3A_24 = tpu.memref_squeeze %dma_start3A_23 : memref<1x79x128xi32, #tpu.memory_space<hbm>> -> memref<79x128xi32, #tpu.memory_space<hbm>>
      %dma_start3A_25 = arith.constant 0 : i32
      %dma_start3A_26 = arith.constant 0 : i32
      %dma_start3A_27 = tpu.memref_slice %arg3[%add3A, %dma_start3A_25, %dma_start3A_26] : memref<32x79x128xi32, #tpu.memory_space<hbm>> -> memref<1x79x128xi32, #tpu.memory_space<hbm>>
      %dma_start3A_28 = tpu.memref_squeeze %dma_start3A_27 : memref<1x79x128xi32, #tpu.memory_space<hbm>> -> memref<79x128xi32, #tpu.memory_space<hbm>>
      tpu.enqueue_dma source(%dma_start3A_28 : memref<79x128xi32, #tpu.memory_space<hbm>>) target(%arg6 : memref<79x128xi32, #tpu.memory_space<vmem>>) target_semaphore(%run_scoped3A : memref<!tpu.dma_semaphore, #tpu.memory_space<semaphore_mem>>)
      %dma_wait3A = arith.constant 0 : i32
      %dma_wait3A_29 = arith.constant 0 : i32
      %dma_wait3A_30 = tpu.memref_slice %arg3[%add3A, %dma_wait3A, %dma_wait3A_29] : memref<32x79x128xi32, #tpu.memory_space<hbm>> -> memref<1x79x128xi32, #tpu.memory_space<hbm>>
      %dma_wait3A_31 = tpu.memref_squeeze %dma_wait3A_30 : memref<1x79x128xi32, #tpu.memory_space<hbm>> -> memref<79x128xi32, #tpu.memory_space<hbm>>
      %dma_wait3A_32 = arith.constant 0 : i32
      %dma_wait3A_33 = arith.constant 0 : i32
      %dma_wait3A_34 = tpu.memref_slice %arg3[%add3A, %dma_wait3A_32, %dma_wait3A_33] : memref<32x79x128xi32, #tpu.memory_space<hbm>> -> memref<1x79x128xi32, #tpu.memory_space<hbm>>
      %dma_wait3A_35 = tpu.memref_squeeze %dma_wait3A_34 : memref<1x79x128xi32, #tpu.memory_space<hbm>> -> memref<79x128xi32, #tpu.memory_space<hbm>>
      tpu.wait_dma2 semaphore(%run_scoped3A : memref<!tpu.dma_semaphore, #tpu.memory_space<semaphore_mem>>) src(%dma_wait3A_35 : memref<79x128xi32, #tpu.memory_space<hbm>>) dst(%arg6 : memref<79x128xi32, #tpu.memory_space<vmem>>)
      tpu.yield
    }) : () -> ()
    "tpu.region"() ({
      %run_scoped3A = tpu.sem_alloc : memref<!tpu.dma_semaphore, #tpu.memory_space<semaphore_mem>>
      %dma_start3A = arith.constant 0 : i32
      %dma_start3A_22 = arith.constant 0 : i32
      %dma_start3A_23 = tpu.memref_slice %arg4[%add3A, %dma_start3A, %dma_start3A_22] : memref<32x79x128xi32, #tpu.memory_space<hbm>> -> memref<1x79x128xi32, #tpu.memory_space<hbm>>
      %dma_start3A_24 = tpu.memref_squeeze %dma_start3A_23 : memref<1x79x128xi32, #tpu.memory_space<hbm>> -> memref<79x128xi32, #tpu.memory_space<hbm>>
      %dma_start3A_25 = arith.constant 0 : i32
      %dma_start3A_26 = arith.constant 0 : i32
      %dma_start3A_27 = tpu.memref_slice %arg4[%add3A, %dma_start3A_25, %dma_start3A_26] : memref<32x79x128xi32, #tpu.memory_space<hbm>> -> memref<1x79x128xi32, #tpu.memory_space<hbm>>
      %dma_start3A_28 = tpu.memref_squeeze %dma_start3A_27 : memref<1x79x128xi32, #tpu.memory_space<hbm>> -> memref<79x128xi32, #tpu.memory_space<hbm>>
      tpu.enqueue_dma source(%dma_start3A_28 : memref<79x128xi32, #tpu.memory_space<hbm>>) target(%arg7 : memref<79x128xi32, #tpu.memory_space<vmem>>) target_semaphore(%run_scoped3A : memref<!tpu.dma_semaphore, #tpu.memory_space<semaphore_mem>>)
      %dma_wait3A = arith.constant 0 : i32
      %dma_wait3A_29 = arith.constant 0 : i32
      %dma_wait3A_30 = tpu.memref_slice %arg4[%add3A, %dma_wait3A, %dma_wait3A_29] : memref<32x79x128xi32, #tpu.memory_space<hbm>> -> memref<1x79x128xi32, #tpu.memory_space<hbm>>
      %dma_wait3A_31 = tpu.memref_squeeze %dma_wait3A_30 : memref<1x79x128xi32, #tpu.memory_space<hbm>> -> memref<79x128xi32, #tpu.memory_space<hbm>>
      %dma_wait3A_32 = arith.constant 0 : i32
      %dma_wait3A_33 = arith.constant 0 : i32
      %dma_wait3A_34 = tpu.memref_slice %arg4[%add3A, %dma_wait3A_32, %dma_wait3A_33] : memref<32x79x128xi32, #tpu.memory_space<hbm>> -> memref<1x79x128xi32, #tpu.memory_space<hbm>>
      %dma_wait3A_35 = tpu.memref_squeeze %dma_wait3A_34 : memref<1x79x128xi32, #tpu.memory_space<hbm>> -> memref<79x128xi32, #tpu.memory_space<hbm>>
      tpu.wait_dma2 semaphore(%run_scoped3A : memref<!tpu.dma_semaphore, #tpu.memory_space<semaphore_mem>>) src(%dma_wait3A_35 : memref<79x128xi32, #tpu.memory_space<hbm>>) dst(%arg7 : memref<79x128xi32, #tpu.memory_space<vmem>>)
      tpu.yield
    }) : () -> ()
    %scan3A_11 = arith.constant 0 : i32
    %scan3A_12 = arith.constant 79 : i32
    %scan3A_13 = arith.addi %scan3A_11, %scan3A_12 : i32
    %scan3A_14 = arith.constant 1 : i32
    scf.for %scan3A_22 = %scan3A_11 to %scan3A_13 step %scan3A_14  : i32 {
      %dma_start3A = arith.constant 0 : i32
      %dma_start3A_23 = tpu.memref_slice %arg6[%scan3A_22, %dma_start3A] : memref<79x128xi32, #tpu.memory_space<vmem>> -> memref<1x128xi32, #tpu.memory_space<vmem>>
      %dma_start3A_24 = tpu.memref_squeeze %dma_start3A_23 : memref<1x128xi32, #tpu.memory_space<vmem>> -> memref<128xi32, #tpu.memory_space<vmem>>
      %dma_start3A_25 = arith.constant 0 : i32
      %dma_start3A_26 = arith.constant 0 : i32
      %dma_start3A_27 = tpu.memref_slice %arg2[%dma_start3A_25, %dma_start3A_26] : memref<10240x128xf32, #tpu.memory_space<hbm>> -> memref<10240x128xf32, #tpu.memory_space<hbm>>
      tpu.enqueue_indirect_dma source(%dma_start3A_27 : memref<10240x128xf32, #tpu.memory_space<hbm>>) target(%arg8 : memref<128x128xf32, #tpu.memory_space<vmem>>) offsets(%dma_start3A_24 : memref<128xi32, #tpu.memory_space<vmem>>) semaphore(%arg10 : memref<!tpu.dma_semaphore, #tpu.memory_space<semaphore_mem>>)
      %dma_wait3A = arith.constant 0 : i32
      %dma_wait3A_28 = tpu.memref_slice %arg6[%scan3A_22, %dma_wait3A] : memref<79x128xi32, #tpu.memory_space<vmem>> -> memref<1x128xi32, #tpu.memory_space<vmem>>
      %dma_wait3A_29 = tpu.memref_squeeze %dma_wait3A_28 : memref<1x128xi32, #tpu.memory_space<vmem>> -> memref<128xi32, #tpu.memory_space<vmem>>
      %dma_wait3A_30 = arith.constant 0 : i32
      %dma_wait3A_31 = arith.constant 0 : i32
      %dma_wait3A_32 = tpu.memref_slice %arg2[%dma_wait3A_30, %dma_wait3A_31] : memref<10240x128xf32, #tpu.memory_space<hbm>> -> memref<10240x128xf32, #tpu.memory_space<hbm>>
      tpu.wait_indirect_dma semaphore(%arg10 : memref<!tpu.dma_semaphore, #tpu.memory_space<semaphore_mem>>) src(%dma_wait3A_32 : memref<10240x128xf32, #tpu.memory_space<hbm>>) dst(%arg8 : memref<128x128xf32, #tpu.memory_space<vmem>>)
      "tpu.region"() ({
        %run_scoped3A = tpu.sem_alloc : memref<!tpu.dma_semaphore, #tpu.memory_space<semaphore_mem>>
        %dma_start3A_33 = arith.constant 0 : i32
        %dma_start3A_34 = tpu.memref_slice %arg7[%scan3A_22, %dma_start3A_33] : memref<79x128xi32, #tpu.memory_space<vmem>> -> memref<1x128xi32, #tpu.memory_space<vmem>>
        %dma_start3A_35 = tpu.memref_squeeze %dma_start3A_34 : memref<1x128xi32, #tpu.memory_space<vmem>> -> memref<128xi32, #tpu.memory_space<vmem>>
        %dma_start3A_36 = arith.constant 0 : i32
        %dma_start3A_37 = arith.constant 0 : i32
        %dma_start3A_38 = tpu.memref_slice %arg9[%dma_start3A_36, %dma_start3A_37] : memref<10240x128xf32, #tpu.memory_space<vmem_shared>> -> memref<10240x128xf32, #tpu.memory_space<vmem_shared>>
        tpu.enqueue_indirect_dma source(%arg8 : memref<128x128xf32, #tpu.memory_space<vmem>>) target(%dma_start3A_38 : memref<10240x128xf32, #tpu.memory_space<vmem_shared>>) offsets(%dma_start3A_35 : memref<128xi32, #tpu.memory_space<vmem>>) semaphore(%run_scoped3A : memref<!tpu.dma_semaphore, #tpu.memory_space<semaphore_mem>>) {add = true}
        %dma_wait3A_39 = arith.constant 0 : i32
        %dma_wait3A_40 = tpu.memref_slice %arg7[%scan3A_22, %dma_wait3A_39] : memref<79x128xi32, #tpu.memory_space<vmem>> -> memref<1x128xi32, #tpu.memory_space<vmem>>
        %dma_wait3A_41 = tpu.memref_squeeze %dma_wait3A_40 : memref<1x128xi32, #tpu.memory_space<vmem>> -> memref<128xi32, #tpu.memory_space<vmem>>
        %dma_wait3A_42 = arith.constant 0 : i32
        %dma_wait3A_43 = arith.constant 0 : i32
        %dma_wait3A_44 = tpu.memref_slice %arg9[%dma_wait3A_42, %dma_wait3A_43] : memref<10240x128xf32, #tpu.memory_space<vmem_shared>> -> memref<10240x128xf32, #tpu.memory_space<vmem_shared>>
        tpu.wait_indirect_dma semaphore(%run_scoped3A : memref<!tpu.dma_semaphore, #tpu.memory_space<semaphore_mem>>) src(%arg8 : memref<128x128xf32, #tpu.memory_space<vmem>>) dst(%dma_wait3A_44 : memref<10240x128xf32, #tpu.memory_space<vmem_shared>>)
        tpu.yield
      }) : () -> ()
    }
    %scan3A_15 = arith.constant 79 : i32
    %barrier3A_16 = arith.constant 0 : index
    tpu.barrier barrier_id(%barrier3A_16)
    %scan3A_17 = arith.constant 0 : i32
    %scan3A_18 = arith.constant 5 : i32
    %scan3A_19 = arith.addi %scan3A_17, %scan3A_18 : i32
    %scan3A_20 = arith.constant 1 : i32
    scf.for %scan3A_22 = %scan3A_17 to %scan3A_19 step %scan3A_20  : i32 {
      %mul3A_23 = arith.constant 640 : i32
      %mul3A_24 = arith.muli %arg1, %mul3A_23 : i32
      %mul3A_25 = arith.constant 128 : i32
      %mul3A_26 = arith.muli %scan3A_22, %mul3A_25 : i32
      %add3A_27 = arith.addi %mul3A_24, %mul3A_26 : i32
      "tpu.region"() ({
        %run_scoped3A = tpu.sem_alloc : memref<!tpu.dma_semaphore, #tpu.memory_space<semaphore_mem>>
        %dma_start3A = arith.constant 0 : i32
        %dma_start3A_28 = arith.constant 0 : i32
        %dma_start3A_29 = tpu.memref_slice %arg5[%arg0, %dma_start3A, %dma_start3A_28] : memref<2x10240x128xf32, #tpu.memory_space<hbm>> -> memref<1x10240x128xf32, #tpu.memory_space<hbm>>
        %dma_start3A_30 = tpu.memref_squeeze %dma_start3A_29 : memref<1x10240x128xf32, #tpu.memory_space<hbm>> -> memref<10240x128xf32, #tpu.memory_space<hbm>>
        %dma_start3A_31 = arith.constant 0 : i32
        %dma_start3A_32 = tpu.memref_slice %dma_start3A_30[%add3A_27, %dma_start3A_31] : memref<10240x128xf32, #tpu.memory_space<hbm>> -> memref<128x128xf32, #tpu.memory_space<hbm>>
        %dma_start3A_33 = arith.constant 0 : i32
        %dma_start3A_34 = tpu.memref_slice %arg9[%add3A_27, %dma_start3A_33] : memref<10240x128xf32, #tpu.memory_space<vmem_shared>> -> memref<128x128xf32, #tpu.memory_space<vmem_shared>>
        tpu.enqueue_dma source(%dma_start3A_34 : memref<128x128xf32, #tpu.memory_space<vmem_shared>>) target(%dma_start3A_32 : memref<128x128xf32, #tpu.memory_space<hbm>>) target_semaphore(%run_scoped3A : memref<!tpu.dma_semaphore, #tpu.memory_space<semaphore_mem>>)
        %dma_wait3A = arith.constant 0 : i32
        %dma_wait3A_35 = arith.constant 0 : i32
        %dma_wait3A_36 = tpu.memref_slice %arg5[%arg0, %dma_wait3A, %dma_wait3A_35] : memref<2x10240x128xf32, #tpu.memory_space<hbm>> -> memref<1x10240x128xf32, #tpu.memory_space<hbm>>
        %dma_wait3A_37 = tpu.memref_squeeze %dma_wait3A_36 : memref<1x10240x128xf32, #tpu.memory_space<hbm>> -> memref<10240x128xf32, #tpu.memory_space<hbm>>
        %dma_wait3A_38 = arith.constant 0 : i32
        %dma_wait3A_39 = tpu.memref_slice %dma_wait3A_37[%add3A_27, %dma_wait3A_38] : memref<10240x128xf32, #tpu.memory_space<hbm>> -> memref<128x128xf32, #tpu.memory_space<hbm>>
        %dma_wait3A_40 = arith.constant 0 : i32
        %dma_wait3A_41 = tpu.memref_slice %arg9[%add3A_27, %dma_wait3A_40] : memref<10240x128xf32, #tpu.memory_space<vmem_shared>> -> memref<128x128xf32, #tpu.memory_space<vmem_shared>>
        tpu.wait_dma2 semaphore(%run_scoped3A : memref<!tpu.dma_semaphore, #tpu.memory_space<semaphore_mem>>) src(%dma_wait3A_41 : memref<128x128xf32, #tpu.memory_space<vmem_shared>>) dst(%dma_wait3A_39 : memref<128x128xf32, #tpu.memory_space<hbm>>)
        tpu.yield
      }) : () -> ()
    }
    %scan3A_21 = arith.constant 5 : i32
    return
  }
}

#map = affine_map<(d0, d1) -> (0, 0)>
#map1 = affine_map<(d0, d1) -> (0, 0, 0)>
module attributes {stable_mosaic.version = 14 : i64} {
  func.func @k(%arg0: i32, %arg1: i32, %arg2: memref<10240x128xf32, #tpu.memory_space<hbm>>, %arg3: memref<32x79x128xi32, #tpu.memory_space<hbm>>, %arg4: memref<32x79x128xi32, #tpu.memory_space<hbm>>, %arg5: memref<2x10240x128xf32, #tpu.memory_space<hbm>>, %arg6: memref<79x128xi32, #tpu.memory_space<vmem>>, %arg7: memref<79x128xi32, #tpu.memory_space<vmem>>, %arg8: memref<128x128xf32, #tpu.memory_space<vmem>>, %arg9: memref<10240x128xf32, #tpu.memory_space<vmem_shared>>, %arg10: memref<!tpu.dma_semaphore, #tpu.memory_space<semaphore_mem>>) attributes {dimension_semantics = [#tpu.dimension_semantics<core_parallel>, #tpu.dimension_semantics<subcore_parallel>], iteration_bounds = array<i64: 2, 16>, scalar_prefetch = 0 : i64, scratch_operands = 5 : i64, tpu.core_type = #tpu.core_type<sc_vector_subcore>, window_params = [{transform_indices = #map}, {transform_indices = #map1}, {transform_indices = #map1}, {transform_indices = #map1}]} {
    %mul3A = arith.constant 16 : i32
    %mul3A_0 = arith.muli %arg0, %mul3A : i32
    %add3A = arith.addi %mul3A_0, %arg1 : i32
    %broadcast_in_dim3A = arith.constant 0.000000e+00 : f32
    %broadcast_in_dim3A_1 = vector.broadcast %broadcast_in_dim3A : f32 to vector<16xf32>
    %scan3A = arith.constant 0 : i32
    %scan3A_2 = arith.constant 128 : i32
    %scan3A_3 = arith.addi %scan3A, %scan3A_2 : i32
    %scan3A_4 = arith.constant 1 : i32
    scf.for %scan3A_22 = %scan3A to %scan3A_3 step %scan3A_4  : i32 {
      %scan3A_23 = arith.constant 0 : i32
      %scan3A_24 = arith.constant 8 : i32
      %scan3A_25 = arith.addi %scan3A_23, %scan3A_24 : i32
      %scan3A_26 = arith.constant 1 : i32
      scf.for %scan3A_28 = %scan3A_23 to %scan3A_25 step %scan3A_26  : i32 {
        %mul3A_29 = arith.constant 16 : i32
        %mul3A_30 = arith.muli %scan3A_28, %mul3A_29 : i32
        %swap3A = arith.index_cast %scan3A_22 : i32 to index
        %swap3A_31 = arith.index_cast %mul3A_30 : i32 to index
        %swap3A_32 = tpu.vector_load %arg8[%swap3A, %swap3A_31] {strides = array<i32>} : memref<128x128xf32, #tpu.memory_space<vmem>>, vector<1x16xf32>,
        %swap3A_33 = vector.shape_cast %swap3A_32 : vector<1x16xf32> to vector<16xf32>
        %swap3A_34 = vector.shape_cast %broadcast_in_dim3A_1 : vector<16xf32> to vector<1x16xf32>
        tpu.vector_store %arg8[%swap3A, %swap3A_31], %swap3A_34 {strides = array<i32>} : memref<128x128xf32, #tpu.memory_space<vmem>>, vector<1x16xf32>,
      }
      %scan3A_27 = arith.constant 8 : i32
    }
    %scan3A_5 = arith.constant 128 : i32
    %scan3A_6 = arith.constant 0 : i32
    %scan3A_7 = arith.constant 5 : i32
    %scan3A_8 = arith.addi %scan3A_6, %scan3A_7 : i32
    %scan3A_9 = arith.constant 1 : i32
    scf.for %scan3A_22 = %scan3A_6 to %scan3A_8 step %scan3A_9  : i32 {
      %mul3A_23 = arith.constant 640 : i32
      %mul3A_24 = arith.muli %arg1, %mul3A_23 : i32
      %mul3A_25 = arith.constant 128 : i32
      %mul3A_26 = arith.muli %scan3A_22, %mul3A_25 : i32
      %add3A_27 = arith.addi %mul3A_24, %mul3A_26 : i32
      "tpu.region"() ({
        %run_scoped3A = tpu.sem_alloc : memref<!tpu.dma_semaphore, #tpu.memory_space<semaphore_mem>>
        %dma_start3A = arith.constant 0 : i32
        %dma_start3A_28 = tpu.memref_slice %arg9[%add3A_27, %dma_start3A] : memref<10240x128xf32, #tpu.memory_space<vmem_shared>> -> memref<128x128xf32, #tpu.memory_space<vmem_shared>>
        %dma_start3A_29 = arith.constant 0 : i32
        %dma_start3A_30 = tpu.memref_slice %arg9[%add3A_27, %dma_start3A_29] : memref<10240x128xf32, #tpu.memory_space<vmem_shared>> -> memref<128x128xf32, #tpu.memory_space<vmem_shared>>
        tpu.enqueue_dma source(%arg8 : memref<128x128xf32, #tpu.memory_space<vmem>>) target(%dma_start3A_30 : memref<128x128xf32, #tpu.memory_space<vmem_shared>>) target_semaphore(%run_scoped3A : memref<!tpu.dma_semaphore, #tpu.memory_space<semaphore_mem>>)
        %dma_wait3A = arith.constant 0 : i32
        %dma_wait3A_31 = tpu.memref_slice %arg9[%add3A_27, %dma_wait3A] : memref<10240x128xf32, #tpu.memory_space<vmem_shared>> -> memref<128x128xf32, #tpu.memory_space<vmem_shared>>
        %dma_wait3A_32 = arith.constant 0 : i32
        %dma_wait3A_33 = tpu.memref_slice %arg9[%add3A_27, %dma_wait3A_32] : memref<10240x128xf32, #tpu.memory_space<vmem_shared>> -> memref<128x128xf32, #tpu.memory_space<vmem_shared>>
        tpu.wait_dma2 semaphore(%run_scoped3A : memref<!tpu.dma_semaphore, #tpu.memory_space<semaphore_mem>>) src(%arg8 : memref<128x128xf32, #tpu.memory_space<vmem>>) dst(%dma_wait3A_33 : memref<128x128xf32, #tpu.memory_space<vmem_shared>>)
        tpu.yield
      }) : () -> ()
    }
    %scan3A_10 = arith.constant 5 : i32
    %barrier3A = arith.constant 0 : index
    tpu.barrier barrier_id(%barrier3A)
    "tpu.region"() ({
      %run_scoped3A = tpu.sem_alloc : memref<!tpu.dma_semaphore, #tpu.memory_space<semaphore_mem>>
      %dma_start3A = arith.constant 0 : i32
      %dma_start3A_22 = arith.constant 0 : i32
      %dma_start3A_23 = tpu.memref_slice %arg3[%add3A, %dma_start3A, %dma_start3A_22] : memref<32x79x128xi32, #tpu.memory_space<hbm>> -> memref<1x79x128xi32, #tpu.memory_space<hbm>>
      %dma_start3A_24 = tpu.memref_squeeze %dma_start3A_23 : memref<1x79x128xi32, #tpu.memory_space<hbm>> -> memref<79x128xi32, #tpu.memory_space<hbm>>
      %dma_start3A_25 = arith.constant 0 : i32
      %dma_start3A_26 = arith.constant 0 : i32
      %dma_start3A_27 = tpu.memref_slice %arg3[%add3A, %dma_start3A_25, %dma_start3A_26] : memref<32x79x128xi32, #tpu.memory_space<hbm>> -> memref<1x79x128xi32, #tpu.memory_space<hbm>>
      %dma_start3A_28 = tpu.memref_squeeze %dma_start3A_27 : memref<1x79x128xi32, #tpu.memory_space<hbm>> -> memref<79x128xi32, #tpu.memory_space<hbm>>
      tpu.enqueue_dma source(%dma_start3A_28 : memref<79x128xi32, #tpu.memory_space<hbm>>) target(%arg6 : memref<79x128xi32, #tpu.memory_space<vmem>>) target_semaphore(%run_scoped3A : memref<!tpu.dma_semaphore, #tpu.memory_space<semaphore_mem>>)
      %dma_wait3A = arith.constant 0 : i32
      %dma_wait3A_29 = arith.constant 0 : i32
      %dma_wait3A_30 = tpu.memref_slice %arg3[%add3A, %dma_wait3A, %dma_wait3A_29] : memref<32x79x128xi32, #tpu.memory_space<hbm>> -> memref<1x79x128xi32, #tpu.memory_space<hbm>>
      %dma_wait3A_31 = tpu.memref_squeeze %dma_wait3A_30 : memref<1x79x128xi32, #tpu.memory_space<hbm>> -> memref<79x128xi32, #tpu.memory_space<hbm>>
      %dma_wait3A_32 = arith.constant 0 : i32
      %dma_wait3A_33 = arith.constant 0 : i32
      %dma_wait3A_34 = tpu.memref_slice %arg3[%add3A, %dma_wait3A_32, %dma_wait3A_33] : memref<32x79x128xi32, #tpu.memory_space<hbm>> -> memref<1x79x128xi32, #tpu.memory_space<hbm>>
      %dma_wait3A_35 = tpu.memref_squeeze %dma_wait3A_34 : memref<1x79x128xi32, #tpu.memory_space<hbm>> -> memref<79x128xi32, #tpu.memory_space<hbm>>
      tpu.wait_dma2 semaphore(%run_scoped3A : memref<!tpu.dma_semaphore, #tpu.memory_space<semaphore_mem>>) src(%dma_wait3A_35 : memref<79x128xi32, #tpu.memory_space<hbm>>) dst(%arg6 : memref<79x128xi32, #tpu.memory_space<vmem>>)
      tpu.yield
    }) : () -> ()
    "tpu.region"() ({
      %run_scoped3A = tpu.sem_alloc : memref<!tpu.dma_semaphore, #tpu.memory_space<semaphore_mem>>
      %dma_start3A = arith.constant 0 : i32
      %dma_start3A_22 = arith.constant 0 : i32
      %dma_start3A_23 = tpu.memref_slice %arg4[%add3A, %dma_start3A, %dma_start3A_22] : memref<32x79x128xi32, #tpu.memory_space<hbm>> -> memref<1x79x128xi32, #tpu.memory_space<hbm>>
      %dma_start3A_24 = tpu.memref_squeeze %dma_start3A_23 : memref<1x79x128xi32, #tpu.memory_space<hbm>> -> memref<79x128xi32, #tpu.memory_space<hbm>>
      %dma_start3A_25 = arith.constant 0 : i32
      %dma_start3A_26 = arith.constant 0 : i32
      %dma_start3A_27 = tpu.memref_slice %arg4[%add3A, %dma_start3A_25, %dma_start3A_26] : memref<32x79x128xi32, #tpu.memory_space<hbm>> -> memref<1x79x128xi32, #tpu.memory_space<hbm>>
      %dma_start3A_28 = tpu.memref_squeeze %dma_start3A_27 : memref<1x79x128xi32, #tpu.memory_space<hbm>> -> memref<79x128xi32, #tpu.memory_space<hbm>>
      tpu.enqueue_dma source(%dma_start3A_28 : memref<79x128xi32, #tpu.memory_space<hbm>>) target(%arg7 : memref<79x128xi32, #tpu.memory_space<vmem>>) target_semaphore(%run_scoped3A : memref<!tpu.dma_semaphore, #tpu.memory_space<semaphore_mem>>)
      %dma_wait3A = arith.constant 0 : i32
      %dma_wait3A_29 = arith.constant 0 : i32
      %dma_wait3A_30 = tpu.memref_slice %arg4[%add3A, %dma_wait3A, %dma_wait3A_29] : memref<32x79x128xi32, #tpu.memory_space<hbm>> -> memref<1x79x128xi32, #tpu.memory_space<hbm>>
      %dma_wait3A_31 = tpu.memref_squeeze %dma_wait3A_30 : memref<1x79x128xi32, #tpu.memory_space<hbm>> -> memref<79x128xi32, #tpu.memory_space<hbm>>
      %dma_wait3A_32 = arith.constant 0 : i32
      %dma_wait3A_33 = arith.constant 0 : i32
      %dma_wait3A_34 = tpu.memref_slice %arg4[%add3A, %dma_wait3A_32, %dma_wait3A_33] : memref<32x79x128xi32, #tpu.memory_space<hbm>> -> memref<1x79x128xi32, #tpu.memory_space<hbm>>
      %dma_wait3A_35 = tpu.memref_squeeze %dma_wait3A_34 : memref<1x79x128xi32, #tpu.memory_space<hbm>> -> memref<79x128xi32, #tpu.memory_space<hbm>>
      tpu.wait_dma2 semaphore(%run_scoped3A : memref<!tpu.dma_semaphore, #tpu.memory_space<semaphore_mem>>) src(%dma_wait3A_35 : memref<79x128xi32, #tpu.memory_space<hbm>>) dst(%arg7 : memref<79x128xi32, #tpu.memory_space<vmem>>)
      tpu.yield
    }) : () -> ()
    %scan3A_11 = arith.constant 0 : i32
    %scan3A_12 = arith.constant 79 : i32
    %scan3A_13 = arith.addi %scan3A_11, %scan3A_12 : i32
    %scan3A_14 = arith.constant 1 : i32
    scf.for %scan3A_22 = %scan3A_11 to %scan3A_13 step %scan3A_14  : i32 {
      %dma_start3A = arith.constant 0 : i32
      %dma_start3A_23 = tpu.memref_slice %arg6[%scan3A_22, %dma_start3A] : memref<79x128xi32, #tpu.memory_space<vmem>> -> memref<1x128xi32, #tpu.memory_space<vmem>>
      %dma_start3A_24 = tpu.memref_squeeze %dma_start3A_23 : memref<1x128xi32, #tpu.memory_space<vmem>> -> memref<128xi32, #tpu.memory_space<vmem>>
      %dma_start3A_25 = arith.constant 0 : i32
      %dma_start3A_26 = arith.constant 0 : i32
      %dma_start3A_27 = tpu.memref_slice %arg2[%dma_start3A_25, %dma_start3A_26] : memref<10240x128xf32, #tpu.memory_space<hbm>> -> memref<10240x128xf32, #tpu.memory_space<hbm>>
      tpu.enqueue_indirect_dma source(%dma_start3A_27 : memref<10240x128xf32, #tpu.memory_space<hbm>>) target(%arg8 : memref<128x128xf32, #tpu.memory_space<vmem>>) offsets(%dma_start3A_24 : memref<128xi32, #tpu.memory_space<vmem>>) semaphore(%arg10 : memref<!tpu.dma_semaphore, #tpu.memory_space<semaphore_mem>>)
      %dma_wait3A = arith.constant 0 : i32
      %dma_wait3A_28 = tpu.memref_slice %arg6[%scan3A_22, %dma_wait3A] : memref<79x128xi32, #tpu.memory_space<vmem>> -> memref<1x128xi32, #tpu.memory_space<vmem>>
      %dma_wait3A_29 = tpu.memref_squeeze %dma_wait3A_28 : memref<1x128xi32, #tpu.memory_space<vmem>> -> memref<128xi32, #tpu.memory_space<vmem>>
      %dma_wait3A_30 = arith.constant 0 : i32
      %dma_wait3A_31 = arith.constant 0 : i32
      %dma_wait3A_32 = tpu.memref_slice %arg2[%dma_wait3A_30, %dma_wait3A_31] : memref<10240x128xf32, #tpu.memory_space<hbm>> -> memref<10240x128xf32, #tpu.memory_space<hbm>>
      tpu.wait_indirect_dma semaphore(%arg10 : memref<!tpu.dma_semaphore, #tpu.memory_space<semaphore_mem>>) src(%dma_wait3A_32 : memref<10240x128xf32, #tpu.memory_space<hbm>>) dst(%arg8 : memref<128x128xf32, #tpu.memory_space<vmem>>)
      "tpu.region"() ({
        %run_scoped3A = tpu.sem_alloc : memref<!tpu.dma_semaphore, #tpu.memory_space<semaphore_mem>>
        %dma_start3A_33 = arith.constant 0 : i32
        %dma_start3A_34 = tpu.memref_slice %arg7[%scan3A_22, %dma_start3A_33] : memref<79x128xi32, #tpu.memory_space<vmem>> -> memref<1x128xi32, #tpu.memory_space<vmem>>
        %dma_start3A_35 = tpu.memref_squeeze %dma_start3A_34 : memref<1x128xi32, #tpu.memory_space<vmem>> -> memref<128xi32, #tpu.memory_space<vmem>>
        %dma_start3A_36 = arith.constant 0 : i32
        %dma_start3A_37 = arith.constant 0 : i32
        %dma_start3A_38 = tpu.memref_slice %arg9[%dma_start3A_36, %dma_start3A_37] : memref<10240x128xf32, #tpu.memory_space<vmem_shared>> -> memref<10240x128xf32, #tpu.memory_space<vmem_shared>>
        tpu.enqueue_indirect_dma source(%arg8 : memref<128x128xf32, #tpu.memory_space<vmem>>) target(%dma_start3A_38 : memref<10240x128xf32, #tpu.memory_space<vmem_shared>>) offsets(%dma_start3A_35 : memref<128xi32, #tpu.memory_space<vmem>>) semaphore(%run_scoped3A : memref<!tpu.dma_semaphore, #tpu.memory_space<semaphore_mem>>) {add = true}
        %dma_wait3A_39 = arith.constant 0 : i32
        %dma_wait3A_40 = tpu.memref_slice %arg7[%scan3A_22, %dma_wait3A_39] : memref<79x128xi32, #tpu.memory_space<vmem>> -> memref<1x128xi32, #tpu.memory_space<vmem>>
        %dma_wait3A_41 = tpu.memref_squeeze %dma_wait3A_40 : memref<1x128xi32, #tpu.memory_space<vmem>> -> memref<128xi32, #tpu.memory_space<vmem>>
        %dma_wait3A_42 = arith.constant 0 : i32
        %dma_wait3A_43 = arith.constant 0 : i32
        %dma_wait3A_44 = tpu.memref_slice %arg9[%dma_wait3A_42, %dma_wait3A_43] : memref<10240x128xf32, #tpu.memory_space<vmem_shared>> -> memref<10240x128xf32, #tpu.memory_space<vmem_shared>>
        tpu.wait_indirect_dma semaphore(%run_scoped3A : memref<!tpu.dma_semaphore, #tpu.memory_space<semaphore_mem>>) src(%arg8 : memref<128x128xf32, #tpu.memory_space<vmem>>) dst(%dma_wait3A_44 : memref<10240x128xf32, #tpu.memory_space<vmem_shared>>)
        tpu.yield
      }) : () -> ()
    }
    %scan3A_15 = arith.constant 79 : i32
    %barrier3A_16 = arith.constant 0 : index
    tpu.barrier barrier_id(%barrier3A_16)
    %scan3A_17 = arith.constant 0 : i32
    %scan3A_18 = arith.constant 5 : i32
    %scan3A_19 = arith.addi %scan3A_17, %scan3A_18 : i32
    %scan3A_20 = arith.constant 1 : i32
    scf.for %scan3A_22 = %scan3A_17 to %scan3A_19 step %scan3A_20  : i32 {
      %mul3A_23 = arith.constant 640 : i32
      %mul3A_24 = arith.muli %arg1, %mul3A_23 : i32
      %mul3A_25 = arith.constant 128 : i32
      %mul3A_26 = arith.muli %scan3A_22, %mul3A_25 : i32
      %add3A_27 = arith.addi %mul3A_24, %mul3A_26 : i32
      "tpu.region"() ({
        %run_scoped3A = tpu.sem_alloc : memref<!tpu.dma_semaphore, #tpu.memory_space<semaphore_mem>>
        %dma_start3A = arith.constant 0 : i32
        %dma_start3A_28 = arith.constant 0 : i32
        %dma_start3A_29 = tpu.memref_slice %arg5[%arg0, %dma_start3A, %dma_start3A_28] : memref<2x10240x128xf32, #tpu.memory_space<hbm>> -> memref<1x10240x128xf32, #tpu.memory_space<hbm>>
        %dma_start3A_30 = tpu.memref_squeeze %dma_start3A_29 : memref<1x10240x128xf32, #tpu.memory_space<hbm>> -> memref<10240x128xf32, #tpu.memory_space<hbm>>
        %dma_start3A_31 = arith.constant 0 : i32
        %dma_start3A_32 = tpu.memref_slice %dma_start3A_30[%add3A_27, %dma_start3A_31] : memref<10240x128xf32, #tpu.memory_space<hbm>> -> memref<128x128xf32, #tpu.memory_space<hbm>>
        %dma_start3A_33 = arith.constant 0 : i32
        %dma_start3A_34 = tpu.memref_slice %arg9[%add3A_27, %dma_start3A_33] : memref<10240x128xf32, #tpu.memory_space<vmem_shared>> -> memref<128x128xf32, #tpu.memory_space<vmem_shared>>
        tpu.enqueue_dma source(%dma_start3A_34 : memref<128x128xf32, #tpu.memory_space<vmem_shared>>) target(%dma_start3A_32 : memref<128x128xf32, #tpu.memory_space<hbm>>) target_semaphore(%run_scoped3A : memref<!tpu.dma_semaphore, #tpu.memory_space<semaphore_mem>>)
        %dma_wait3A = arith.constant 0 : i32
        %dma_wait3A_35 = arith.constant 0 : i32
        %dma_wait3A_36 = tpu.memref_slice %arg5[%arg0, %dma_wait3A, %dma_wait3A_35] : memref<2x10240x128xf32, #tpu.memory_space<hbm>> -> memref<1x10240x128xf32, #tpu.memory_space<hbm>>
        %dma_wait3A_37 = tpu.memref_squeeze %dma_wait3A_36 : memref<1x10240x128xf32, #tpu.memory_space<hbm>> -> memref<10240x128xf32, #tpu.memory_space<hbm>>
        %dma_wait3A_38 = arith.constant 0 : i32
        %dma_wait3A_39 = tpu.memref_slice %dma_wait3A_37[%add3A_27, %dma_wait3A_38] : memref<10240x128xf32, #tpu.memory_space<hbm>> -> memref<128x128xf32, #tpu.memory_space<hbm>>
        %dma_wait3A_40 = arith.constant 0 : i32
        %dma_wait3A_41 = tpu.memref_slice %arg9[%add3A_27, %dma_wait3A_40] : memref<10240x128xf32, #tpu.memory_space<vmem_shared>> -> memref<128x128xf32, #tpu.memory_space<vmem_shared>>
        tpu.wait_dma2 semaphore(%run_scoped3A : memref<!tpu.dma_semaphore, #tpu.memory_space<semaphore_mem>>) src(%dma_wait3A_41 : memref<128x128xf32, #tpu.memory_space<vmem_shared>>) dst(%dma_wait3A_39 : memref<128x128xf32, #tpu.memory_space<hbm>>)
        tpu.yield
      }) : () -> ()
    }
    %scan3A_21 = arith.constant 5 : i32
    return
  }
}

#map = affine_map<(d0, d1) -> (0, 0)>
#map1 = affine_map<(d0, d1) -> (0, 0, 0)>
module attributes {stable_mosaic.version = 14 : i64} {
  func.func @k(%arg0: i32, %arg1: i32, %arg2: memref<10240x128xf32, #tpu.memory_space<hbm>>, %arg3: memref<32x79x128xi32, #tpu.memory_space<hbm>>, %arg4: memref<32x79x128xi32, #tpu.memory_space<hbm>>, %arg5: memref<2x10240x128xf32, #tpu.memory_space<hbm>>, %arg6: memref<79x128xi32, #tpu.memory_space<vmem>>, %arg7: memref<79x128xi32, #tpu.memory_space<vmem>>, %arg8: memref<128x128xf32, #tpu.memory_space<vmem>>, %arg9: memref<10240x128xf32, #tpu.memory_space<vmem_shared>>, %arg10: memref<!tpu.dma_semaphore, #tpu.memory_space<semaphore_mem>>) attributes {dimension_semantics = [#tpu.dimension_semantics<core_parallel>, #tpu.dimension_semantics<subcore_parallel>], iteration_bounds = array<i64: 2, 16>, scalar_prefetch = 0 : i64, scratch_operands = 5 : i64, tpu.core_type = #tpu.core_type<sc_vector_subcore>, window_params = [{transform_indices = #map}, {transform_indices = #map1}, {transform_indices = #map1}, {transform_indices = #map1}]} {
    %mul3A = arith.constant 16 : i32
    %mul3A_0 = arith.muli %arg0, %mul3A : i32
    %add3A = arith.addi %mul3A_0, %arg1 : i32
    %broadcast_in_dim3A = arith.constant 0.000000e+00 : f32
    %broadcast_in_dim3A_1 = vector.broadcast %broadcast_in_dim3A : f32 to vector<16xf32>
    %scan3A = arith.constant 0 : i32
    %scan3A_2 = arith.constant 128 : i32
    %scan3A_3 = arith.addi %scan3A, %scan3A_2 : i32
    %scan3A_4 = arith.constant 1 : i32
    scf.for %scan3A_22 = %scan3A to %scan3A_3 step %scan3A_4  : i32 {
      %scan3A_23 = arith.constant 0 : i32
      %scan3A_24 = arith.constant 8 : i32
      %scan3A_25 = arith.addi %scan3A_23, %scan3A_24 : i32
      %scan3A_26 = arith.constant 1 : i32
      scf.for %scan3A_28 = %scan3A_23 to %scan3A_25 step %scan3A_26  : i32 {
        %mul3A_29 = arith.constant 16 : i32
        %mul3A_30 = arith.muli %scan3A_28, %mul3A_29 : i32
        %swap3A = arith.index_cast %scan3A_22 : i32 to index
        %swap3A_31 = arith.index_cast %mul3A_30 : i32 to index
        %swap3A_32 = tpu.vector_load %arg8[%swap3A, %swap3A_31] {strides = array<i32>} : memref<128x128xf32, #tpu.memory_space<vmem>>, vector<1x16xf32>,
        %swap3A_33 = vector.shape_cast %swap3A_32 : vector<1x16xf32> to vector<16xf32>
        %swap3A_34 = vector.shape_cast %broadcast_in_dim3A_1 : vector<16xf32> to vector<1x16xf32>
        tpu.vector_store %arg8[%swap3A, %swap3A_31], %swap3A_34 {strides = array<i32>} : memref<128x128xf32, #tpu.memory_space<vmem>>, vector<1x16xf32>,
      }
      %scan3A_27 = arith.constant 8 : i32
    }
    %scan3A_5 = arith.constant 128 : i32
    %scan3A_6 = arith.constant 0 : i32
    %scan3A_7 = arith.constant 5 : i32
    %scan3A_8 = arith.addi %scan3A_6, %scan3A_7 : i32
    %scan3A_9 = arith.constant 1 : i32
    scf.for %scan3A_22 = %scan3A_6 to %scan3A_8 step %scan3A_9  : i32 {
      %mul3A_23 = arith.constant 640 : i32
      %mul3A_24 = arith.muli %arg1, %mul3A_23 : i32
      %mul3A_25 = arith.constant 128 : i32
      %mul3A_26 = arith.muli %scan3A_22, %mul3A_25 : i32
      %add3A_27 = arith.addi %mul3A_24, %mul3A_26 : i32
      "tpu.region"() ({
        %run_scoped3A = tpu.sem_alloc : memref<!tpu.dma_semaphore, #tpu.memory_space<semaphore_mem>>
        %dma_start3A = arith.constant 0 : i32
        %dma_start3A_28 = tpu.memref_slice %arg9[%add3A_27, %dma_start3A] : memref<10240x128xf32, #tpu.memory_space<vmem_shared>> -> memref<128x128xf32, #tpu.memory_space<vmem_shared>>
        %dma_start3A_29 = arith.constant 0 : i32
        %dma_start3A_30 = tpu.memref_slice %arg9[%add3A_27, %dma_start3A_29] : memref<10240x128xf32, #tpu.memory_space<vmem_shared>> -> memref<128x128xf32, #tpu.memory_space<vmem_shared>>
        tpu.enqueue_dma source(%arg8 : memref<128x128xf32, #tpu.memory_space<vmem>>) target(%dma_start3A_30 : memref<128x128xf32, #tpu.memory_space<vmem_shared>>) target_semaphore(%run_scoped3A : memref<!tpu.dma_semaphore, #tpu.memory_space<semaphore_mem>>)
        %dma_wait3A = arith.constant 0 : i32
        %dma_wait3A_31 = tpu.memref_slice %arg9[%add3A_27, %dma_wait3A] : memref<10240x128xf32, #tpu.memory_space<vmem_shared>> -> memref<128x128xf32, #tpu.memory_space<vmem_shared>>
        %dma_wait3A_32 = arith.constant 0 : i32
        %dma_wait3A_33 = tpu.memref_slice %arg9[%add3A_27, %dma_wait3A_32] : memref<10240x128xf32, #tpu.memory_space<vmem_shared>> -> memref<128x128xf32, #tpu.memory_space<vmem_shared>>
        tpu.wait_dma2 semaphore(%run_scoped3A : memref<!tpu.dma_semaphore, #tpu.memory_space<semaphore_mem>>) src(%arg8 : memref<128x128xf32, #tpu.memory_space<vmem>>) dst(%dma_wait3A_33 : memref<128x128xf32, #tpu.memory_space<vmem_shared>>)
        tpu.yield
      }) : () -> ()
    }
    %scan3A_10 = arith.constant 5 : i32
    %barrier3A = arith.constant 0 : index
    tpu.barrier barrier_id(%barrier3A)
    "tpu.region"() ({
      %run_scoped3A = tpu.sem_alloc : memref<!tpu.dma_semaphore, #tpu.memory_space<semaphore_mem>>
      %dma_start3A = arith.constant 0 : i32
      %dma_start3A_22 = arith.constant 0 : i32
      %dma_start3A_23 = tpu.memref_slice %arg3[%add3A, %dma_start3A, %dma_start3A_22] : memref<32x79x128xi32, #tpu.memory_space<hbm>> -> memref<1x79x128xi32, #tpu.memory_space<hbm>>
      %dma_start3A_24 = tpu.memref_squeeze %dma_start3A_23 : memref<1x79x128xi32, #tpu.memory_space<hbm>> -> memref<79x128xi32, #tpu.memory_space<hbm>>
      %dma_start3A_25 = arith.constant 0 : i32
      %dma_start3A_26 = arith.constant 0 : i32
      %dma_start3A_27 = tpu.memref_slice %arg3[%add3A, %dma_start3A_25, %dma_start3A_26] : memref<32x79x128xi32, #tpu.memory_space<hbm>> -> memref<1x79x128xi32, #tpu.memory_space<hbm>>
      %dma_start3A_28 = tpu.memref_squeeze %dma_start3A_27 : memref<1x79x128xi32, #tpu.memory_space<hbm>> -> memref<79x128xi32, #tpu.memory_space<hbm>>
      tpu.enqueue_dma source(%dma_start3A_28 : memref<79x128xi32, #tpu.memory_space<hbm>>) target(%arg6 : memref<79x128xi32, #tpu.memory_space<vmem>>) target_semaphore(%run_scoped3A : memref<!tpu.dma_semaphore, #tpu.memory_space<semaphore_mem>>)
      %dma_wait3A = arith.constant 0 : i32
      %dma_wait3A_29 = arith.constant 0 : i32
      %dma_wait3A_30 = tpu.memref_slice %arg3[%add3A, %dma_wait3A, %dma_wait3A_29] : memref<32x79x128xi32, #tpu.memory_space<hbm>> -> memref<1x79x128xi32, #tpu.memory_space<hbm>>
      %dma_wait3A_31 = tpu.memref_squeeze %dma_wait3A_30 : memref<1x79x128xi32, #tpu.memory_space<hbm>> -> memref<79x128xi32, #tpu.memory_space<hbm>>
      %dma_wait3A_32 = arith.constant 0 : i32
      %dma_wait3A_33 = arith.constant 0 : i32
      %dma_wait3A_34 = tpu.memref_slice %arg3[%add3A, %dma_wait3A_32, %dma_wait3A_33] : memref<32x79x128xi32, #tpu.memory_space<hbm>> -> memref<1x79x128xi32, #tpu.memory_space<hbm>>
      %dma_wait3A_35 = tpu.memref_squeeze %dma_wait3A_34 : memref<1x79x128xi32, #tpu.memory_space<hbm>> -> memref<79x128xi32, #tpu.memory_space<hbm>>
      tpu.wait_dma2 semaphore(%run_scoped3A : memref<!tpu.dma_semaphore, #tpu.memory_space<semaphore_mem>>) src(%dma_wait3A_35 : memref<79x128xi32, #tpu.memory_space<hbm>>) dst(%arg6 : memref<79x128xi32, #tpu.memory_space<vmem>>)
      tpu.yield
    }) : () -> ()
    "tpu.region"() ({
      %run_scoped3A = tpu.sem_alloc : memref<!tpu.dma_semaphore, #tpu.memory_space<semaphore_mem>>
      %dma_start3A = arith.constant 0 : i32
      %dma_start3A_22 = arith.constant 0 : i32
      %dma_start3A_23 = tpu.memref_slice %arg4[%add3A, %dma_start3A, %dma_start3A_22] : memref<32x79x128xi32, #tpu.memory_space<hbm>> -> memref<1x79x128xi32, #tpu.memory_space<hbm>>
      %dma_start3A_24 = tpu.memref_squeeze %dma_start3A_23 : memref<1x79x128xi32, #tpu.memory_space<hbm>> -> memref<79x128xi32, #tpu.memory_space<hbm>>
      %dma_start3A_25 = arith.constant 0 : i32
      %dma_start3A_26 = arith.constant 0 : i32
      %dma_start3A_27 = tpu.memref_slice %arg4[%add3A, %dma_start3A_25, %dma_start3A_26] : memref<32x79x128xi32, #tpu.memory_space<hbm>> -> memref<1x79x128xi32, #tpu.memory_space<hbm>>
      %dma_start3A_28 = tpu.memref_squeeze %dma_start3A_27 : memref<1x79x128xi32, #tpu.memory_space<hbm>> -> memref<79x128xi32, #tpu.memory_space<hbm>>
      tpu.enqueue_dma source(%dma_start3A_28 : memref<79x128xi32, #tpu.memory_space<hbm>>) target(%arg7 : memref<79x128xi32, #tpu.memory_space<vmem>>) target_semaphore(%run_scoped3A : memref<!tpu.dma_semaphore, #tpu.memory_space<semaphore_mem>>)
      %dma_wait3A = arith.constant 0 : i32
      %dma_wait3A_29 = arith.constant 0 : i32
      %dma_wait3A_30 = tpu.memref_slice %arg4[%add3A, %dma_wait3A, %dma_wait3A_29] : memref<32x79x128xi32, #tpu.memory_space<hbm>> -> memref<1x79x128xi32, #tpu.memory_space<hbm>>
      %dma_wait3A_31 = tpu.memref_squeeze %dma_wait3A_30 : memref<1x79x128xi32, #tpu.memory_space<hbm>> -> memref<79x128xi32, #tpu.memory_space<hbm>>
      %dma_wait3A_32 = arith.constant 0 : i32
      %dma_wait3A_33 = arith.constant 0 : i32
      %dma_wait3A_34 = tpu.memref_slice %arg4[%add3A, %dma_wait3A_32, %dma_wait3A_33] : memref<32x79x128xi32, #tpu.memory_space<hbm>> -> memref<1x79x128xi32, #tpu.memory_space<hbm>>
      %dma_wait3A_35 = tpu.memref_squeeze %dma_wait3A_34 : memref<1x79x128xi32, #tpu.memory_space<hbm>> -> memref<79x128xi32, #tpu.memory_space<hbm>>
      tpu.wait_dma2 semaphore(%run_scoped3A : memref<!tpu.dma_semaphore, #tpu.memory_space<semaphore_mem>>) src(%dma_wait3A_35 : memref<79x128xi32, #tpu.memory_space<hbm>>) dst(%arg7 : memref<79x128xi32, #tpu.memory_space<vmem>>)
      tpu.yield
    }) : () -> ()
    %scan3A_11 = arith.constant 0 : i32
    %scan3A_12 = arith.constant 79 : i32
    %scan3A_13 = arith.addi %scan3A_11, %scan3A_12 : i32
    %scan3A_14 = arith.constant 1 : i32
    scf.for %scan3A_22 = %scan3A_11 to %scan3A_13 step %scan3A_14  : i32 {
      %dma_start3A = arith.constant 0 : i32
      %dma_start3A_23 = tpu.memref_slice %arg6[%scan3A_22, %dma_start3A] : memref<79x128xi32, #tpu.memory_space<vmem>> -> memref<1x128xi32, #tpu.memory_space<vmem>>
      %dma_start3A_24 = tpu.memref_squeeze %dma_start3A_23 : memref<1x128xi32, #tpu.memory_space<vmem>> -> memref<128xi32, #tpu.memory_space<vmem>>
      %dma_start3A_25 = arith.constant 0 : i32
      %dma_start3A_26 = arith.constant 0 : i32
      %dma_start3A_27 = tpu.memref_slice %arg2[%dma_start3A_25, %dma_start3A_26] : memref<10240x128xf32, #tpu.memory_space<hbm>> -> memref<10240x128xf32, #tpu.memory_space<hbm>>
      tpu.enqueue_indirect_dma source(%dma_start3A_27 : memref<10240x128xf32, #tpu.memory_space<hbm>>) target(%arg8 : memref<128x128xf32, #tpu.memory_space<vmem>>) offsets(%dma_start3A_24 : memref<128xi32, #tpu.memory_space<vmem>>) semaphore(%arg10 : memref<!tpu.dma_semaphore, #tpu.memory_space<semaphore_mem>>)
      %dma_wait3A = arith.constant 0 : i32
      %dma_wait3A_28 = tpu.memref_slice %arg6[%scan3A_22, %dma_wait3A] : memref<79x128xi32, #tpu.memory_space<vmem>> -> memref<1x128xi32, #tpu.memory_space<vmem>>
      %dma_wait3A_29 = tpu.memref_squeeze %dma_wait3A_28 : memref<1x128xi32, #tpu.memory_space<vmem>> -> memref<128xi32, #tpu.memory_space<vmem>>
      %dma_wait3A_30 = arith.constant 0 : i32
      %dma_wait3A_31 = arith.constant 0 : i32
      %dma_wait3A_32 = tpu.memref_slice %arg2[%dma_wait3A_30, %dma_wait3A_31] : memref<10240x128xf32, #tpu.memory_space<hbm>> -> memref<10240x128xf32, #tpu.memory_space<hbm>>
      tpu.wait_indirect_dma semaphore(%arg10 : memref<!tpu.dma_semaphore, #tpu.memory_space<semaphore_mem>>) src(%dma_wait3A_32 : memref<10240x128xf32, #tpu.memory_space<hbm>>) dst(%arg8 : memref<128x128xf32, #tpu.memory_space<vmem>>)
      "tpu.region"() ({
        %run_scoped3A = tpu.sem_alloc : memref<!tpu.dma_semaphore, #tpu.memory_space<semaphore_mem>>
        %dma_start3A_33 = arith.constant 0 : i32
        %dma_start3A_34 = tpu.memref_slice %arg7[%scan3A_22, %dma_start3A_33] : memref<79x128xi32, #tpu.memory_space<vmem>> -> memref<1x128xi32, #tpu.memory_space<vmem>>
        %dma_start3A_35 = tpu.memref_squeeze %dma_start3A_34 : memref<1x128xi32, #tpu.memory_space<vmem>> -> memref<128xi32, #tpu.memory_space<vmem>>
        %dma_start3A_36 = arith.constant 0 : i32
        %dma_start3A_37 = arith.constant 0 : i32
        %dma_start3A_38 = tpu.memref_slice %arg9[%dma_start3A_36, %dma_start3A_37] : memref<10240x128xf32, #tpu.memory_space<vmem_shared>> -> memref<10240x128xf32, #tpu.memory_space<vmem_shared>>
        tpu.enqueue_indirect_dma source(%arg8 : memref<128x128xf32, #tpu.memory_space<vmem>>) target(%dma_start3A_38 : memref<10240x128xf32, #tpu.memory_space<vmem_shared>>) offsets(%dma_start3A_35 : memref<128xi32, #tpu.memory_space<vmem>>) semaphore(%run_scoped3A : memref<!tpu.dma_semaphore, #tpu.memory_space<semaphore_mem>>) {add = true}
        %dma_wait3A_39 = arith.constant 0 : i32
        %dma_wait3A_40 = tpu.memref_slice %arg7[%scan3A_22, %dma_wait3A_39] : memref<79x128xi32, #tpu.memory_space<vmem>> -> memref<1x128xi32, #tpu.memory_space<vmem>>
        %dma_wait3A_41 = tpu.memref_squeeze %dma_wait3A_40 : memref<1x128xi32, #tpu.memory_space<vmem>> -> memref<128xi32, #tpu.memory_space<vmem>>
        %dma_wait3A_42 = arith.constant 0 : i32
        %dma_wait3A_43 = arith.constant 0 : i32
        %dma_wait3A_44 = tpu.memref_slice %arg9[%dma_wait3A_42, %dma_wait3A_43] : memref<10240x128xf32, #tpu.memory_space<vmem_shared>> -> memref<10240x128xf32, #tpu.memory_space<vmem_shared>>
        tpu.wait_indirect_dma semaphore(%run_scoped3A : memref<!tpu.dma_semaphore, #tpu.memory_space<semaphore_mem>>) src(%arg8 : memref<128x128xf32, #tpu.memory_space<vmem>>) dst(%dma_wait3A_44 : memref<10240x128xf32, #tpu.memory_space<vmem_shared>>)
        tpu.yield
      }) : () -> ()
    }
    %scan3A_15 = arith.constant 79 : i32
    %barrier3A_16 = arith.constant 0 : index
    tpu.barrier barrier_id(%barrier3A_16)
    %scan3A_17 = arith.constant 0 : i32
    %scan3A_18 = arith.constant 5 : i32
    %scan3A_19 = arith.addi %scan3A_17, %scan3A_18 : i32
    %scan3A_20 = arith.constant 1 : i32
    scf.for %scan3A_22 = %scan3A_17 to %scan3A_19 step %scan3A_20  : i32 {
      %mul3A_23 = arith.constant 640 : i32
      %mul3A_24 = arith.muli %arg1, %mul3A_23 : i32
      %mul3A_25 = arith.constant 128 : i32
      %mul3A_26 = arith.muli %scan3A_22, %mul3A_25 : i32
      %add3A_27 = arith.addi %mul3A_24, %mul3A_26 : i32
      "tpu.region"() ({
        %run_scoped3A = tpu.sem_alloc : memref<!tpu.dma_semaphore, #tpu.memory_space<semaphore_mem>>
        %dma_start3A = arith.constant 0 : i32
        %dma_start3A_28 = arith.constant 0 : i32
        %dma_start3A_29 = tpu.memref_slice %arg5[%arg0, %dma_start3A, %dma_start3A_28] : memref<2x10240x128xf32, #tpu.memory_space<hbm>> -> memref<1x10240x128xf32, #tpu.memory_space<hbm>>
        %dma_start3A_30 = tpu.memref_squeeze %dma_start3A_29 : memref<1x10240x128xf32, #tpu.memory_space<hbm>> -> memref<10240x128xf32, #tpu.memory_space<hbm>>
        %dma_start3A_31 = arith.constant 0 : i32
        %dma_start3A_32 = tpu.memref_slice %dma_start3A_30[%add3A_27, %dma_start3A_31] : memref<10240x128xf32, #tpu.memory_space<hbm>> -> memref<128x128xf32, #tpu.memory_space<hbm>>
        %dma_start3A_33 = arith.constant 0 : i32
        %dma_start3A_34 = tpu.memref_slice %arg9[%add3A_27, %dma_start3A_33] : memref<10240x128xf32, #tpu.memory_space<vmem_shared>> -> memref<128x128xf32, #tpu.memory_space<vmem_shared>>
        tpu.enqueue_dma source(%dma_start3A_34 : memref<128x128xf32, #tpu.memory_space<vmem_shared>>) target(%dma_start3A_32 : memref<128x128xf32, #tpu.memory_space<hbm>>) target_semaphore(%run_scoped3A : memref<!tpu.dma_semaphore, #tpu.memory_space<semaphore_mem>>)
        %dma_wait3A = arith.constant 0 : i32
        %dma_wait3A_35 = arith.constant 0 : i32
        %dma_wait3A_36 = tpu.memref_slice %arg5[%arg0, %dma_wait3A, %dma_wait3A_35] : memref<2x10240x128xf32, #tpu.memory_space<hbm>> -> memref<1x10240x128xf32, #tpu.memory_space<hbm>>
        %dma_wait3A_37 = tpu.memref_squeeze %dma_wait3A_36 : memref<1x10240x128xf32, #tpu.memory_space<hbm>> -> memref<10240x128xf32, #tpu.memory_space<hbm>>
        %dma_wait3A_38 = arith.constant 0 : i32
        %dma_wait3A_39 = tpu.memref_slice %dma_wait3A_37[%add3A_27, %dma_wait3A_38] : memref<10240x128xf32, #tpu.memory_space<hbm>> -> memref<128x128xf32, #tpu.memory_space<hbm>>
        %dma_wait3A_40 = arith.constant 0 : i32
        %dma_wait3A_41 = tpu.memref_slice %arg9[%add3A_27, %dma_wait3A_40] : memref<10240x128xf32, #tpu.memory_space<vmem_shared>> -> memref<128x128xf32, #tpu.memory_space<vmem_shared>>
        tpu.wait_dma2 semaphore(%run_scoped3A : memref<!tpu.dma_semaphore, #tpu.memory_space<semaphore_mem>>) src(%dma_wait3A_41 : memref<128x128xf32, #tpu.memory_space<vmem_shared>>) dst(%dma_wait3A_39 : memref<128x128xf32, #tpu.memory_space<hbm>>)
        tpu.yield
      }) : () -> ()
    }
    %scan3A_21 = arith.constant 5 : i32
    return
  }
}

module attributes {stable_mosaic.version = 14 : i64} {
  func.func @_mm_body(%arg0: i32, %arg1: memref<1024x128xf32, #tpu.memory_space<vmem>>, %arg2: memref<128x128xf32, #tpu.memory_space<vmem>>, %arg3: memref<1x128xf32, #tpu.memory_space<vmem>>, %arg4: memref<1024x128xf32, #tpu.memory_space<vmem>>) attributes {dimension_semantics = [#tpu.dimension_semantics<arbitrary>], iteration_bounds = array<i64: 10>, scalar_prefetch = 0 : i64, scratch_operands = 0 : i64, tpu.core_type = #tpu.core_type<tc>, window_params = [{transform_indices = @transform_0, window_bounds = array<i64: 1024, 128>}, {pipeline_mode = #tpu.pipeline_mode<synchronous>, transform_indices = @transform_1, window_bounds = array<i64: 128, 128>}, {pipeline_mode = #tpu.pipeline_mode<synchronous>, transform_indices = @transform_2, window_bounds = array<i64: 1, 128>}, {transform_indices = @transform_3, window_bounds = array<i64: 1024, 128>}]} {
    %get3A = arith.constant 0 : index
    %get3A_0 = arith.constant 0 : index
    %get3A_1 = vector.load %arg1[%get3A, %get3A_0] : memref<1024x128xf32, #tpu.memory_space<vmem>>, vector<1024x128xf32>
    %get3A_2 = arith.constant 0 : index
    %get3A_3 = arith.constant 0 : index
    %get3A_4 = vector.load %arg2[%get3A_2, %get3A_3] : memref<128x128xf32, #tpu.memory_space<vmem>>, vector<128x128xf32>
    %dot_general3A = arith.constant dense<0.000000e+00> : vector<1024x128xf32>
    %dot_general3A_5 = tpu.matmul %get3A_1, %get3A_4, %dot_general3A {dimension_numbers = #tpu.dot_dimension_numbers<[1], [0], [0], [1], [0, 0, 1, 1], [], []>, transpose_lhs_hint = false} : vector<1024x128xf32>, vector<128x128xf32>, vector<1024x128xf32> -> vector<1024x128xf32>
    %get3A_6 = arith.constant 0 : index
    %get3A_7 = arith.constant 0 : index
    %get3A_8 = vector.load %arg3[%get3A_6, %get3A_7] : memref<1x128xf32, #tpu.memory_space<vmem>>, vector<1x128xf32>
    %add3A = vector.broadcast %get3A_8 : vector<1x128xf32> to vector<1024x128xf32>
    %add3A_9 = arith.addf %dot_general3A_5, %add3A : vector<1024x128xf32>
    %swap3A = arith.constant 0 : index
    %swap3A_10 = arith.constant 0 : index
    %swap3A_11 = vector.load %arg4[%swap3A, %swap3A_10] : memref<1024x128xf32, #tpu.memory_space<vmem>>, vector<1024x128xf32>
    tpu.vector_store %arg4[%swap3A, %swap3A_10], %add3A_9 {strides = array<i32>} : memref<1024x128xf32, #tpu.memory_space<vmem>>, vector<1024x128xf32>,
    return
  }
  func.func @transform_0(%arg0: i32) -> (i32, i32) {
    %c0_i32 = arith.constant 0 : i32
    %c0_i32_0 = arith.constant 0 : i32
    return %arg0, %c0_i32 : i32, i32
  }
  func.func @transform_1(%arg0: i32) -> (i32, i32) {
    %c0_i32 = arith.constant 0 : i32
    %c0_i32_0 = arith.constant 0 : i32
    %c0_i32_1 = arith.constant 0 : i32
    return %c0_i32, %c0_i32_0 : i32, i32
  }
  func.func @transform_2(%arg0: i32) -> (i32, i32) {
    %c0_i32 = arith.constant 0 : i32
    %c0_i32_0 = arith.constant 0 : i32
    %c0_i32_1 = arith.constant 0 : i32
    return %c0_i32, %c0_i32_0 : i32, i32
  }
  func.func @transform_3(%arg0: i32) -> (i32, i32) {
    %c0_i32 = arith.constant 0 : i32
    %c0_i32_0 = arith.constant 0 : i32
    return %arg0, %c0_i32 : i32, i32
  }
}

module attributes {stable_mosaic.version = 14 : i64} {
  func.func @_layer_body(%arg0: i32, %arg1: memref<2x1024x128xf32, #tpu.memory_space<vmem>>, %arg2: memref<1024x9xf32, #tpu.memory_space<vmem>>, %arg3: memref<1024x3xf32, #tpu.memory_space<vmem>>, %arg4: memref<1024x3xf32, #tpu.memory_space<vmem>>, %arg5: memref<128x128xf32, #tpu.memory_space<vmem>>, %arg6: memref<1x128xf32, #tpu.memory_space<vmem>>, %arg7: memref<128x16xf32, #tpu.memory_space<vmem>>, %arg8: memref<1x16xf32, #tpu.memory_space<vmem>>, %arg9: memref<1024x128xf32, #tpu.memory_space<vmem>>, %arg10: memref<1024x9xf32, #tpu.memory_space<vmem>>, %arg11: memref<1024x3xf32, #tpu.memory_space<vmem>>, %arg12: memref<1024x3xf32, #tpu.memory_space<vmem>>) attributes {dimension_semantics = [#tpu.dimension_semantics<arbitrary>], iteration_bounds = array<i64: 10>, scalar_prefetch = 0 : i64, scratch_operands = 0 : i64, tpu.core_type = #tpu.core_type<tc>, window_params = [{transform_indices = @transform_0, window_bounds = array<i64: 2, 1024, 128>}, {transform_indices = @transform_1, window_bounds = array<i64: 1024, 9>}, {transform_indices = @transform_2, window_bounds = array<i64: 1024, 3>}, {transform_indices = @transform_3, window_bounds = array<i64: 1024, 3>}, {pipeline_mode = #tpu.pipeline_mode<synchronous>, transform_indices = @transform_4, window_bounds = array<i64: 128, 128>}, {pipeline_mode = #tpu.pipeline_mode<synchronous>, transform_indices = @transform_5, window_bounds = array<i64: 1, 128>}, {pipeline_mode = #tpu.pipeline_mode<synchronous>, transform_indices = @transform_6, window_bounds = array<i64: 128, 16>}, {pipeline_mode = #tpu.pipeline_mode<synchronous>, transform_indices = @transform_7, window_bounds = array<i64: 1, 16>}, {transform_indices = @transform_8, window_bounds = array<i64: 1024, 128>}, {transform_indices = @transform_9, window_bounds = array<i64: 1024, 9>}, {transform_indices = @transform_10, window_bounds = array<i64: 1024, 3>}, {transform_indices = @transform_11, window_bounds = array<i64: 1024, 3>}]} {
    %get3A = arith.constant 0 : index
    %get3A_0 = arith.constant 0 : index
    %get3A_1 = arith.constant 0 : index
    %get3A_2 = vector.load %arg1[%get3A, %get3A_0, %get3A_1] : memref<2x1024x128xf32, #tpu.memory_space<vmem>>, vector<1x1024x128xf32>
    %get3A_3 = vector.shape_cast %get3A_2 : vector<1x1024x128xf32> to vector<1024x128xf32>
    %get3A_4 = arith.constant 1 : index
    %get3A_5 = arith.constant 0 : index
    %get3A_6 = arith.constant 0 : index
    %get3A_7 = vector.load %arg1[%get3A_4, %get3A_5, %get3A_6] : memref<2x1024x128xf32, #tpu.memory_space<vmem>>, vector<1x1024x128xf32>
    %get3A_8 = vector.shape_cast %get3A_7 : vector<1x1024x128xf32> to vector<1024x128xf32>
    %add3A = arith.addf %get3A_3, %get3A_8 : vector<1024x128xf32>
    %get3A_9 = arith.constant 0 : index
    %get3A_10 = arith.constant 0 : index
    %get3A_11 = vector.load %arg5[%get3A_9, %get3A_10] : memref<128x128xf32, #tpu.memory_space<vmem>>, vector<128x128xf32>
    %dot_general3A = arith.constant dense<0.000000e+00> : vector<1024x128xf32>
    %dot_general3A_12 = tpu.matmul %add3A, %get3A_11, %dot_general3A {dimension_numbers = #tpu.dot_dimension_numbers<[1], [0], [0], [1], [0, 0, 1, 1], [], []>, transpose_lhs_hint = false} : vector<1024x128xf32>, vector<128x128xf32>, vector<1024x128xf32> -> vector<1024x128xf32>
    %get3A_13 = arith.constant 0 : index
    %get3A_14 = arith.constant 0 : index
    %get3A_15 = vector.load %arg6[%get3A_13, %get3A_14] : memref<1x128xf32, #tpu.memory_space<vmem>>, vector<1x128xf32>
    %add3A_16 = vector.broadcast %get3A_15 : vector<1x128xf32> to vector<1024x128xf32>
    %add3A_17 = arith.addf %dot_general3A_12, %add3A_16 : vector<1024x128xf32>
    %swap3A = arith.constant 0 : index
    %swap3A_18 = arith.constant 0 : index
    %swap3A_19 = vector.load %arg9[%swap3A, %swap3A_18] : memref<1024x128xf32, #tpu.memory_space<vmem>>, vector<1024x128xf32>
    tpu.vector_store %arg9[%swap3A, %swap3A_18], %add3A_17 {strides = array<i32>} : memref<1024x128xf32, #tpu.memory_space<vmem>>, vector<1024x128xf32>,
    %get3A_20 = arith.constant 0 : index
    %get3A_21 = arith.constant 0 : index
    %get3A_22 = vector.load %arg7[%get3A_20, %get3A_21] : memref<128x16xf32, #tpu.memory_space<vmem>>, vector<128x16xf32>
    %dot_general3A_23 = arith.constant dense<0.000000e+00> : vector<1024x16xf32>
    %dot_general3A_24 = tpu.matmul %add3A, %get3A_22, %dot_general3A_23 {dimension_numbers = #tpu.dot_dimension_numbers<[1], [0], [0], [1], [0, 0, 1, 1], [], []>, transpose_lhs_hint = false} : vector<1024x128xf32>, vector<128x16xf32>, vector<1024x16xf32> -> vector<1024x16xf32>
    %get3A_25 = arith.constant 0 : index
    %get3A_26 = arith.constant 0 : index
    %get3A_27 = vector.load %arg8[%get3A_25, %get3A_26] : memref<1x16xf32, #tpu.memory_space<vmem>>, vector<1x16xf32>
    %add3A_28 = vector.broadcast %get3A_27 : vector<1x16xf32> to vector<1024x16xf32>
    %add3A_29 = arith.addf %dot_general3A_24, %add3A_28 : vector<1024x16xf32>
    %slice3A = vector.extract_strided_slice %add3A_29 {offsets = [0, 0], sizes = [1024, 1], strides = [1, 1]} : vector<1024x16xf32> to vector<1024x1xf32>
    %slice3A_30 = vector.extract_strided_slice %add3A_29 {offsets = [0, 1], sizes = [1024, 1], strides = [1, 1]} : vector<1024x16xf32> to vector<1024x1xf32>
    %slice3A_31 = vector.extract_strided_slice %add3A_29 {offsets = [0, 2], sizes = [1024, 1], strides = [1, 1]} : vector<1024x16xf32> to vector<1024x1xf32>
    %slice3A_32 = vector.extract_strided_slice %add3A_29 {offsets = [0, 4], sizes = [1024, 1], strides = [1, 1]} : vector<1024x16xf32> to vector<1024x1xf32>
    %slice3A_33 = vector.extract_strided_slice %add3A_29 {offsets = [0, 5], sizes = [1024, 1], strides = [1, 1]} : vector<1024x16xf32> to vector<1024x1xf32>
    %slice3A_34 = vector.extract_strided_slice %add3A_29 {offsets = [0, 7], sizes = [1024, 1], strides = [1, 1]} : vector<1024x16xf32> to vector<1024x1xf32>
    %slice3A_35 = vector.extract_strided_slice %add3A_29 {offsets = [0, 8], sizes = [1024, 1], strides = [1, 1]} : vector<1024x16xf32> to vector<1024x1xf32>
    %broadcast_in_dim3A = arith.constant 1.000000e+00 : f32
    %broadcast_in_dim3A_36 = vector.broadcast %broadcast_in_dim3A : f32 to vector<1024x1xf32>
    %broadcast_in_dim3A_37 = arith.constant 0.000000e+00 : f32
    %broadcast_in_dim3A_38 = vector.broadcast %broadcast_in_dim3A_37 : f32 to vector<1024x1xf32>
    %mul3A = arith.mulf %slice3A_32, %slice3A_32 : vector<1024x1xf32>
    %mul3A_39 = arith.mulf %slice3A_34, %slice3A_34 : vector<1024x1xf32>
    %add3A_40 = arith.addf %mul3A, %mul3A_39 : vector<1024x1xf32>
    %mul3A_41 = arith.mulf %slice3A_30, %slice3A_30 : vector<1024x1xf32>
    %add3A_42 = arith.addf %mul3A_41, %add3A_40 : vector<1024x1xf32>
    %sqrt3A = math.sqrt %add3A_42 : vector<1024x1xf32>
    %ge3A = arith.constant 0.000000e+00 : f32
    %ge3A_43 = vector.broadcast %ge3A : f32 to vector<1024x1xf32>
    %ge3A_44 = arith.cmpf oge, %slice3A_30, %ge3A_43 : vector<1024x1xf32>
    %neg3A = arith.constant 0.000000e+00 : f32
    %neg3A_45 = vector.broadcast %neg3A : f32 to vector<1024x1xf32>
    %neg3A_46 = arith.subf %neg3A_45, %sqrt3A : vector<1024x1xf32>
    %select_n3A = arith.select %ge3A_44, %neg3A_46, %sqrt3A : vector<1024x1xi1>, vector<1024x1xf32>
    %gt3A = arith.constant 0.000000e+00 : f32
    %gt3A_47 = vector.broadcast %gt3A : f32 to vector<1024x1xf32>
    %gt3A_48 = arith.cmpf ogt, %add3A_40, %gt3A_47 : vector<1024x1xf32>
    %sub3A = arith.subf %slice3A_30, %select_n3A : vector<1024x1xf32>
    %select_n3A_49 = arith.select %gt3A_48, %sub3A, %broadcast_in_dim3A_36 : vector<1024x1xi1>, vector<1024x1xf32>
    %sub3A_50 = arith.subf %select_n3A, %slice3A_30 : vector<1024x1xf32>
    %div3A = arith.divf %sub3A_50, %select_n3A : vector<1024x1xf32>
    %select_n3A_51 = arith.select %gt3A_48, %div3A, %broadcast_in_dim3A_38 : vector<1024x1xi1>, vector<1024x1xf32>
    %div3A_52 = arith.divf %slice3A_32, %select_n3A_49 : vector<1024x1xf32>
    %div3A_53 = arith.divf %slice3A_34, %select_n3A_49 : vector<1024x1xf32>
    %mul3A_54 = arith.mulf %div3A_52, %slice3A_33 : vector<1024x1xf32>
    %add3A_55 = arith.addf %slice3A_31, %mul3A_54 : vector<1024x1xf32>
    %mul3A_56 = arith.mulf %div3A_53, %slice3A_35 : vector<1024x1xf32>
    %add3A_57 = arith.addf %add3A_55, %mul3A_56 : vector<1024x1xf32>
    %mul3A_58 = arith.mulf %select_n3A_51, %div3A_52 : vector<1024x1xf32>
    %mul3A_59 = arith.mulf %mul3A_58, %add3A_57 : vector<1024x1xf32>
    %sub3A_60 = arith.subf %slice3A_33, %mul3A_59 : vector<1024x1xf32>
    %mul3A_61 = arith.mulf %select_n3A_51, %div3A_53 : vector<1024x1xf32>
    %mul3A_62 = arith.mulf %mul3A_61, %add3A_57 : vector<1024x1xf32>
    %sub3A_63 = arith.subf %slice3A_35, %mul3A_62 : vector<1024x1xf32>
    %mul3A_64 = arith.mulf %sub3A_63, %sub3A_63 : vector<1024x1xf32>
    %mul3A_65 = arith.mulf %sub3A_60, %sub3A_60 : vector<1024x1xf32>
    %add3A_66 = arith.addf %mul3A_65, %mul3A_64 : vector<1024x1xf32>
    %sqrt3A_67 = math.sqrt %add3A_66 : vector<1024x1xf32>
    %ge3A_68 = arith.constant 0.000000e+00 : f32
    %ge3A_69 = vector.broadcast %ge3A_68 : f32 to vector<1024x1xf32>
    %ge3A_70 = arith.cmpf oge, %sub3A_60, %ge3A_69 : vector<1024x1xf32>
    %neg3A_71 = arith.constant 0.000000e+00 : f32
    %neg3A_72 = vector.broadcast %neg3A_71 : f32 to vector<1024x1xf32>
    %neg3A_73 = arith.subf %neg3A_72, %sqrt3A_67 : vector<1024x1xf32>
    %select_n3A_74 = arith.select %ge3A_70, %neg3A_73, %sqrt3A_67 : vector<1024x1xi1>, vector<1024x1xf32>
    %gt3A_75 = arith.constant 0.000000e+00 : f32
    %gt3A_76 = vector.broadcast %gt3A_75 : f32 to vector<1024x1xf32>
    %gt3A_77 = arith.cmpf ogt, %mul3A_64, %gt3A_76 : vector<1024x1xf32>
    %sub3A_78 = arith.subf %sub3A_60, %select_n3A_74 : vector<1024x1xf32>
    %select_n3A_79 = arith.select %gt3A_77, %sub3A_78, %broadcast_in_dim3A_36 : vector<1024x1xi1>, vector<1024x1xf32>
    %sub3A_80 = arith.subf %select_n3A_74, %sub3A_60 : vector<1024x1xf32>
    %div3A_81 = arith.divf %sub3A_80, %select_n3A_74 : vector<1024x1xf32>
    %select_n3A_82 = arith.select %gt3A_77, %div3A_81, %broadcast_in_dim3A_38 : vector<1024x1xi1>, vector<1024x1xf32>
    %div3A_83 = arith.divf %sub3A_63, %select_n3A_79 : vector<1024x1xf32>
    %sub3A_84 = arith.constant 1.000000e+00 : f32
    %sub3A_85 = vector.broadcast %sub3A_84 : f32 to vector<1024x1xf32>
    %sub3A_86 = arith.subf %sub3A_85, %select_n3A_82 : vector<1024x1xf32>
    %neg3A_87 = arith.constant 0.000000e+00 : f32
    %neg3A_88 = vector.broadcast %neg3A_87 : f32 to vector<1024x1xf32>
    %neg3A_89 = arith.subf %neg3A_88, %select_n3A_82 : vector<1024x1xf32>
    %mul3A_90 = arith.mulf %neg3A_89, %div3A_83 : vector<1024x1xf32>
    %mul3A_91 = arith.mulf %select_n3A_82, %div3A_83 : vector<1024x1xf32>
    %mul3A_92 = arith.mulf %mul3A_91, %div3A_83 : vector<1024x1xf32>
    %sub3A_93 = arith.constant 1.000000e+00 : f32
    %sub3A_94 = vector.broadcast %sub3A_93 : f32 to vector<1024x1xf32>
    %sub3A_95 = arith.subf %sub3A_94, %mul3A_92 : vector<1024x1xf32>
    %mul3A_96 = arith.mulf %div3A_52, %broadcast_in_dim3A_38 : vector<1024x1xf32>
    %add3A_97 = arith.addf %broadcast_in_dim3A_36, %mul3A_96 : vector<1024x1xf32>
    %mul3A_98 = arith.mulf %div3A_53, %broadcast_in_dim3A_38 : vector<1024x1xf32>
    %add3A_99 = arith.addf %add3A_97, %mul3A_98 : vector<1024x1xf32>
    %mul3A_100 = arith.mulf %select_n3A_51, %add3A_99 : vector<1024x1xf32>
    %sub3A_101 = arith.subf %broadcast_in_dim3A_36, %mul3A_100 : vector<1024x1xf32>
    %mul3A_102 = arith.mulf %select_n3A_51, %div3A_52 : vector<1024x1xf32>
    %mul3A_103 = arith.mulf %mul3A_102, %add3A_99 : vector<1024x1xf32>
    %sub3A_104 = arith.subf %broadcast_in_dim3A_38, %mul3A_103 : vector<1024x1xf32>
    %mul3A_105 = arith.mulf %select_n3A_51, %div3A_53 : vector<1024x1xf32>
    %mul3A_106 = arith.mulf %mul3A_105, %add3A_99 : vector<1024x1xf32>
    %sub3A_107 = arith.subf %broadcast_in_dim3A_38, %mul3A_106 : vector<1024x1xf32>
    %mul3A_108 = arith.mulf %div3A_52, %sub3A_86 : vector<1024x1xf32>
    %add3A_109 = arith.addf %broadcast_in_dim3A_38, %mul3A_108 : vector<1024x1xf32>
    %mul3A_110 = arith.mulf %div3A_53, %mul3A_90 : vector<1024x1xf32>
    %add3A_111 = arith.addf %add3A_109, %mul3A_110 : vector<1024x1xf32>
    %mul3A_112 = arith.mulf %select_n3A_51, %add3A_111 : vector<1024x1xf32>
    %sub3A_113 = arith.subf %broadcast_in_dim3A_38, %mul3A_112 : vector<1024x1xf32>
    %mul3A_114 = arith.mulf %select_n3A_51, %div3A_52 : vector<1024x1xf32>
    %mul3A_115 = arith.mulf %mul3A_114, %add3A_111 : vector<1024x1xf32>
    %sub3A_116 = arith.subf %sub3A_86, %mul3A_115 : vector<1024x1xf32>
    %mul3A_117 = arith.mulf %select_n3A_51, %div3A_53 : vector<1024x1xf32>
    %mul3A_118 = arith.mulf %mul3A_117, %add3A_111 : vector<1024x1xf32>
    %sub3A_119 = arith.subf %mul3A_90, %mul3A_118 : vector<1024x1xf32>
    %mul3A_120 = arith.mulf %div3A_52, %mul3A_90 : vector<1024x1xf32>
    %add3A_121 = arith.addf %broadcast_in_dim3A_38, %mul3A_120 : vector<1024x1xf32>
    %mul3A_122 = arith.mulf %div3A_53, %sub3A_95 : vector<1024x1xf32>
    %add3A_123 = arith.addf %add3A_121, %mul3A_122 : vector<1024x1xf32>
    %mul3A_124 = arith.mulf %select_n3A_51, %add3A_123 : vector<1024x1xf32>
    %sub3A_125 = arith.subf %broadcast_in_dim3A_38, %mul3A_124 : vector<1024x1xf32>
    %mul3A_126 = arith.mulf %select_n3A_51, %div3A_52 : vector<1024x1xf32>
    %mul3A_127 = arith.mulf %mul3A_126, %add3A_123 : vector<1024x1xf32>
    %sub3A_128 = arith.subf %mul3A_90, %mul3A_127 : vector<1024x1xf32>
    %mul3A_129 = arith.mulf %select_n3A_51, %div3A_53 : vector<1024x1xf32>
    %mul3A_130 = arith.mulf %mul3A_129, %add3A_123 : vector<1024x1xf32>
    %sub3A_131 = arith.subf %sub3A_95, %mul3A_130 : vector<1024x1xf32>
    %get3A_132 = arith.constant 0 : index
    %get3A_133 = arith.constant 0 : index
    %get3A_134 = vector.load %arg2[%get3A_132, %get3A_133] : memref<1024x9xf32, #tpu.memory_space<vmem>>, vector<1024x1xf32>
    %mul3A_135 = arith.mulf %sub3A_101, %get3A_134 : vector<1024x1xf32>
    %get3A_136 = arith.constant 0 : index
    %get3A_137 = arith.constant 3 : index
    %get3A_138 = vector.load %arg2[%get3A_136, %get3A_137] : memref<1024x9xf32, #tpu.memory_space<vmem>>, vector<1024x1xf32>
    %mul3A_139 = arith.mulf %sub3A_113, %get3A_138 : vector<1024x1xf32>
    %add3A_140 = arith.addf %mul3A_135, %mul3A_139 : vector<1024x1xf32>
    %get3A_141 = arith.constant 0 : index
    %get3A_142 = arith.constant 6 : index
    %get3A_143 = vector.load %arg2[%get3A_141, %get3A_142] : memref<1024x9xf32, #tpu.memory_space<vmem>>, vector<1024x1xf32>
    %mul3A_144 = arith.mulf %sub3A_125, %get3A_143 : vector<1024x1xf32>
    %add3A_145 = arith.addf %add3A_140, %mul3A_144 : vector<1024x1xf32>
    %swap3A_146 = arith.constant 0 : index
    %swap3A_147 = arith.constant 0 : index
    %swap3A_148 = vector.load %arg10[%swap3A_146, %swap3A_147] : memref<1024x9xf32, #tpu.memory_space<vmem>>, vector<1024x1xf32>
    tpu.vector_store %arg10[%swap3A_146, %swap3A_147], %add3A_145 {strides = array<i32>} : memref<1024x9xf32, #tpu.memory_space<vmem>>, vector<1024x1xf32>,
    %get3A_149 = arith.constant 0 : index
    %get3A_150 = arith.constant 1 : index
    %get3A_151 = vector.load %arg2[%get3A_149, %get3A_150] : memref<1024x9xf32, #tpu.memory_space<vmem>>, vector<1024x1xf32>
    %mul3A_152 = arith.mulf %sub3A_101, %get3A_151 : vector<1024x1xf32>
    %get3A_153 = arith.constant 0 : index
    %get3A_154 = arith.constant 4 : index
    %get3A_155 = vector.load %arg2[%get3A_153, %get3A_154] : memref<1024x9xf32, #tpu.memory_space<vmem>>, vector<1024x1xf32>
    %mul3A_156 = arith.mulf %sub3A_113, %get3A_155 : vector<1024x1xf32>
    %add3A_157 = arith.addf %mul3A_152, %mul3A_156 : vector<1024x1xf32>
    %get3A_158 = arith.constant 0 : index
    %get3A_159 = arith.constant 7 : index
    %get3A_160 = vector.load %arg2[%get3A_158, %get3A_159] : memref<1024x9xf32, #tpu.memory_space<vmem>>, vector<1024x1xf32>
    %mul3A_161 = arith.mulf %sub3A_125, %get3A_160 : vector<1024x1xf32>
    %add3A_162 = arith.addf %add3A_157, %mul3A_161 : vector<1024x1xf32>
    %swap3A_163 = arith.constant 0 : index
    %swap3A_164 = arith.constant 1 : index
    %swap3A_165 = vector.load %arg10[%swap3A_163, %swap3A_164] : memref<1024x9xf32, #tpu.memory_space<vmem>>, vector<1024x1xf32>
    tpu.vector_store %arg10[%swap3A_163, %swap3A_164], %add3A_162 {strides = array<i32>} : memref<1024x9xf32, #tpu.memory_space<vmem>>, vector<1024x1xf32>,
    %get3A_166 = arith.constant 0 : index
    %get3A_167 = arith.constant 2 : index
    %get3A_168 = vector.load %arg2[%get3A_166, %get3A_167] : memref<1024x9xf32, #tpu.memory_space<vmem>>, vector<1024x1xf32>
    %mul3A_169 = arith.mulf %sub3A_101, %get3A_168 : vector<1024x1xf32>
    %get3A_170 = arith.constant 0 : index
    %get3A_171 = arith.constant 5 : index
    %get3A_172 = vector.load %arg2[%get3A_170, %get3A_171] : memref<1024x9xf32, #tpu.memory_space<vmem>>, vector<1024x1xf32>
    %mul3A_173 = arith.mulf %sub3A_113, %get3A_172 : vector<1024x1xf32>
    %add3A_174 = arith.addf %mul3A_169, %mul3A_173 : vector<1024x1xf32>
    %get3A_175 = arith.constant 0 : index
    %get3A_176 = arith.constant 8 : index
    %get3A_177 = vector.load %arg2[%get3A_175, %get3A_176] : memref<1024x9xf32, #tpu.memory_space<vmem>>, vector<1024x1xf32>
    %mul3A_178 = arith.mulf %sub3A_125, %get3A_177 : vector<1024x1xf32>
    %add3A_179 = arith.addf %add3A_174, %mul3A_178 : vector<1024x1xf32>
    %swap3A_180 = arith.constant 0 : index
    %swap3A_181 = arith.constant 2 : index
    %swap3A_182 = vector.load %arg10[%swap3A_180, %swap3A_181] : memref<1024x9xf32, #tpu.memory_space<vmem>>, vector<1024x1xf32>
    tpu.vector_store %arg10[%swap3A_180, %swap3A_181], %add3A_179 {strides = array<i32>} : memref<1024x9xf32, #tpu.memory_space<vmem>>, vector<1024x1xf32>,
    %get3A_183 = arith.constant 0 : index
    %get3A_184 = arith.constant 0 : index
    %get3A_185 = vector.load %arg2[%get3A_183, %get3A_184] : memref<1024x9xf32, #tpu.memory_space<vmem>>, vector<1024x1xf32>
    %mul3A_186 = arith.mulf %sub3A_104, %get3A_185 : vector<1024x1xf32>
    %get3A_187 = arith.constant 0 : index
    %get3A_188 = arith.constant 3 : index
    %get3A_189 = vector.load %arg2[%get3A_187, %get3A_188] : memref<1024x9xf32, #tpu.memory_space<vmem>>, vector<1024x1xf32>
    %mul3A_190 = arith.mulf %sub3A_116, %get3A_189 : vector<1024x1xf32>
    %add3A_191 = arith.addf %mul3A_186, %mul3A_190 : vector<1024x1xf32>
    %get3A_192 = arith.constant 0 : index
    %get3A_193 = arith.constant 6 : index
    %get3A_194 = vector.load %arg2[%get3A_192, %get3A_193] : memref<1024x9xf32, #tpu.memory_space<vmem>>, vector<1024x1xf32>
    %mul3A_195 = arith.mulf %sub3A_128, %get3A_194 : vector<1024x1xf32>
    %add3A_196 = arith.addf %add3A_191, %mul3A_195 : vector<1024x1xf32>
    %swap3A_197 = arith.constant 0 : index
    %swap3A_198 = arith.constant 3 : index
    %swap3A_199 = vector.load %arg10[%swap3A_197, %swap3A_198] : memref<1024x9xf32, #tpu.memory_space<vmem>>, vector<1024x1xf32>
    tpu.vector_store %arg10[%swap3A_197, %swap3A_198], %add3A_196 {strides = array<i32>} : memref<1024x9xf32, #tpu.memory_space<vmem>>, vector<1024x1xf32>,
    %get3A_200 = arith.constant 0 : index
    %get3A_201 = arith.constant 1 : index
    %get3A_202 = vector.load %arg2[%get3A_200, %get3A_201] : memref<1024x9xf32, #tpu.memory_space<vmem>>, vector<1024x1xf32>
    %mul3A_203 = arith.mulf %sub3A_104, %get3A_202 : vector<1024x1xf32>
    %get3A_204 = arith.constant 0 : index
    %get3A_205 = arith.constant 4 : index
    %get3A_206 = vector.load %arg2[%get3A_204, %get3A_205] : memref<1024x9xf32, #tpu.memory_space<vmem>>, vector<1024x1xf32>
    %mul3A_207 = arith.mulf %sub3A_116, %get3A_206 : vector<1024x1xf32>
    %add3A_208 = arith.addf %mul3A_203, %mul3A_207 : vector<1024x1xf32>
    %get3A_209 = arith.constant 0 : index
    %get3A_210 = arith.constant 7 : index
    %get3A_211 = vector.load %arg2[%get3A_209, %get3A_210] : memref<1024x9xf32, #tpu.memory_space<vmem>>, vector<1024x1xf32>
    %mul3A_212 = arith.mulf %sub3A_128, %get3A_211 : vector<1024x1xf32>
    %add3A_213 = arith.addf %add3A_208, %mul3A_212 : vector<1024x1xf32>
    %swap3A_214 = arith.constant 0 : index
    %swap3A_215 = arith.constant 4 : index
    %swap3A_216 = vector.load %arg10[%swap3A_214, %swap3A_215] : memref<1024x9xf32, #tpu.memory_space<vmem>>, vector<1024x1xf32>
    tpu.vector_store %arg10[%swap3A_214, %swap3A_215], %add3A_213 {strides = array<i32>} : memref<1024x9xf32, #tpu.memory_space<vmem>>, vector<1024x1xf32>,
    %get3A_217 = arith.constant 0 : index
    %get3A_218 = arith.constant 2 : index
    %get3A_219 = vector.load %arg2[%get3A_217, %get3A_218] : memref<1024x9xf32, #tpu.memory_space<vmem>>, vector<1024x1xf32>
    %mul3A_220 = arith.mulf %sub3A_104, %get3A_219 : vector<1024x1xf32>
    %get3A_221 = arith.constant 0 : index
    %get3A_222 = arith.constant 5 : index
    %get3A_223 = vector.load %arg2[%get3A_221, %get3A_222] : memref<1024x9xf32, #tpu.memory_space<vmem>>, vector<1024x1xf32>
    %mul3A_224 = arith.mulf %sub3A_116, %get3A_223 : vector<1024x1xf32>
    %add3A_225 = arith.addf %mul3A_220, %mul3A_224 : vector<1024x1xf32>
    %get3A_226 = arith.constant 0 : index
    %get3A_227 = arith.constant 8 : index
    %get3A_228 = vector.load %arg2[%get3A_226, %get3A_227] : memref<1024x9xf32, #tpu.memory_space<vmem>>, vector<1024x1xf32>
    %mul3A_229 = arith.mulf %sub3A_128, %get3A_228 : vector<1024x1xf32>
    %add3A_230 = arith.addf %add3A_225, %mul3A_229 : vector<1024x1xf32>
    %swap3A_231 = arith.constant 0 : index
    %swap3A_232 = arith.constant 5 : index
    %swap3A_233 = vector.load %arg10[%swap3A_231, %swap3A_232] : memref<1024x9xf32, #tpu.memory_space<vmem>>, vector<1024x1xf32>
    tpu.vector_store %arg10[%swap3A_231, %swap3A_232], %add3A_230 {strides = array<i32>} : memref<1024x9xf32, #tpu.memory_space<vmem>>, vector<1024x1xf32>,
    %get3A_234 = arith.constant 0 : index
    %get3A_235 = arith.constant 0 : index
    %get3A_236 = vector.load %arg2[%get3A_234, %get3A_235] : memref<1024x9xf32, #tpu.memory_space<vmem>>, vector<1024x1xf32>
    %mul3A_237 = arith.mulf %sub3A_107, %get3A_236 : vector<1024x1xf32>
    %get3A_238 = arith.constant 0 : index
    %get3A_239 = arith.constant 3 : index
    %get3A_240 = vector.load %arg2[%get3A_238, %get3A_239] : memref<1024x9xf32, #tpu.memory_space<vmem>>, vector<1024x1xf32>
    %mul3A_241 = arith.mulf %sub3A_119, %get3A_240 : vector<1024x1xf32>
    %add3A_242 = arith.addf %mul3A_237, %mul3A_241 : vector<1024x1xf32>
    %get3A_243 = arith.constant 0 : index
    %get3A_244 = arith.constant 6 : index
    %get3A_245 = vector.load %arg2[%get3A_243, %get3A_244] : memref<1024x9xf32, #tpu.memory_space<vmem>>, vector<1024x1xf32>
    %mul3A_246 = arith.mulf %sub3A_131, %get3A_245 : vector<1024x1xf32>
    %add3A_247 = arith.addf %add3A_242, %mul3A_246 : vector<1024x1xf32>
    %swap3A_248 = arith.constant 0 : index
    %swap3A_249 = arith.constant 6 : index
    %swap3A_250 = vector.load %arg10[%swap3A_248, %swap3A_249] : memref<1024x9xf32, #tpu.memory_space<vmem>>, vector<1024x1xf32>
    tpu.vector_store %arg10[%swap3A_248, %swap3A_249], %add3A_247 {strides = array<i32>} : memref<1024x9xf32, #tpu.memory_space<vmem>>, vector<1024x1xf32>,
    %get3A_251 = arith.constant 0 : index
    %get3A_252 = arith.constant 1 : index
    %get3A_253 = vector.load %arg2[%get3A_251, %get3A_252] : memref<1024x9xf32, #tpu.memory_space<vmem>>, vector<1024x1xf32>
    %mul3A_254 = arith.mulf %sub3A_107, %get3A_253 : vector<1024x1xf32>
    %get3A_255 = arith.constant 0 : index
    %get3A_256 = arith.constant 4 : index
    %get3A_257 = vector.load %arg2[%get3A_255, %get3A_256] : memref<1024x9xf32, #tpu.memory_space<vmem>>, vector<1024x1xf32>
    %mul3A_258 = arith.mulf %sub3A_119, %get3A_257 : vector<1024x1xf32>
    %add3A_259 = arith.addf %mul3A_254, %mul3A_258 : vector<1024x1xf32>
    %get3A_260 = arith.constant 0 : index
    %get3A_261 = arith.constant 7 : index
    %get3A_262 = vector.load %arg2[%get3A_260, %get3A_261] : memref<1024x9xf32, #tpu.memory_space<vmem>>, vector<1024x1xf32>
    %mul3A_263 = arith.mulf %sub3A_131, %get3A_262 : vector<1024x1xf32>
    %add3A_264 = arith.addf %add3A_259, %mul3A_263 : vector<1024x1xf32>
    %swap3A_265 = arith.constant 0 : index
    %swap3A_266 = arith.constant 7 : index
    %swap3A_267 = vector.load %arg10[%swap3A_265, %swap3A_266] : memref<1024x9xf32, #tpu.memory_space<vmem>>, vector<1024x1xf32>
    tpu.vector_store %arg10[%swap3A_265, %swap3A_266], %add3A_264 {strides = array<i32>} : memref<1024x9xf32, #tpu.memory_space<vmem>>, vector<1024x1xf32>,
    %get3A_268 = arith.constant 0 : index
    %get3A_269 = arith.constant 2 : index
    %get3A_270 = vector.load %arg2[%get3A_268, %get3A_269] : memref<1024x9xf32, #tpu.memory_space<vmem>>, vector<1024x1xf32>
    %mul3A_271 = arith.mulf %sub3A_107, %get3A_270 : vector<1024x1xf32>
    %get3A_272 = arith.constant 0 : index
    %get3A_273 = arith.constant 5 : index
    %get3A_274 = vector.load %arg2[%get3A_272, %get3A_273] : memref<1024x9xf32, #tpu.memory_space<vmem>>, vector<1024x1xf32>
    %mul3A_275 = arith.mulf %sub3A_119, %get3A_274 : vector<1024x1xf32>
    %add3A_276 = arith.addf %mul3A_271, %mul3A_275 : vector<1024x1xf32>
    %get3A_277 = arith.constant 0 : index
    %get3A_278 = arith.constant 8 : index
    %get3A_279 = vector.load %arg2[%get3A_277, %get3A_278] : memref<1024x9xf32, #tpu.memory_space<vmem>>, vector<1024x1xf32>
    %mul3A_280 = arith.mulf %sub3A_131, %get3A_279 : vector<1024x1xf32>
    %add3A_281 = arith.addf %add3A_276, %mul3A_280 : vector<1024x1xf32>
    %swap3A_282 = arith.constant 0 : index
    %swap3A_283 = arith.constant 8 : index
    %swap3A_284 = vector.load %arg10[%swap3A_282, %swap3A_283] : memref<1024x9xf32, #tpu.memory_space<vmem>>, vector<1024x1xf32>
    tpu.vector_store %arg10[%swap3A_282, %swap3A_283], %add3A_281 {strides = array<i32>} : memref<1024x9xf32, #tpu.memory_space<vmem>>, vector<1024x1xf32>,
    %get3A_285 = arith.constant 0 : index
    %get3A_286 = arith.constant 0 : index
    %get3A_287 = vector.load %arg3[%get3A_285, %get3A_286] : memref<1024x3xf32, #tpu.memory_space<vmem>>, vector<1024x3xf32>
    %slice3A_288 = vector.extract_strided_slice %add3A_29 {offsets = [0, 10], sizes = [1024, 3], strides = [1, 1]} : vector<1024x16xf32> to vector<1024x3xf32>
    %add3A_289 = arith.addf %get3A_287, %slice3A_288 : vector<1024x3xf32>
    %swap3A_290 = arith.constant 0 : index
    %swap3A_291 = arith.constant 0 : index
    %swap3A_292 = vector.load %arg11[%swap3A_290, %swap3A_291] : memref<1024x3xf32, #tpu.memory_space<vmem>>, vector<1024x3xf32>
    tpu.vector_store %arg11[%swap3A_290, %swap3A_291], %add3A_289 {strides = array<i32>} : memref<1024x3xf32, #tpu.memory_space<vmem>>, vector<1024x3xf32>,
    %get3A_293 = arith.constant 0 : index
    %get3A_294 = arith.constant 0 : index
    %get3A_295 = vector.load %arg4[%get3A_293, %get3A_294] : memref<1024x3xf32, #tpu.memory_space<vmem>>, vector<1024x3xf32>
    %add3A_296 = vector.broadcast %slice3A : vector<1024x1xf32> to vector<1024x3xf32>
    %add3A_297 = arith.addf %get3A_295, %add3A_296 : vector<1024x3xf32>
    %swap3A_298 = arith.constant 0 : index
    %swap3A_299 = arith.constant 0 : index
    %swap3A_300 = vector.load %arg12[%swap3A_298, %swap3A_299] : memref<1024x3xf32, #tpu.memory_space<vmem>>, vector<1024x3xf32>
    tpu.vector_store %arg12[%swap3A_298, %swap3A_299], %add3A_297 {strides = array<i32>} : memref<1024x3xf32, #tpu.memory_space<vmem>>, vector<1024x3xf32>,
    return
  }
  func.func @transform_0(%arg0: i32) -> (i32, i32, i32) {
    %c0_i32 = arith.constant 0 : i32
    %c0_i32_0 = arith.constant 0 : i32
    %c0_i32_1 = arith.constant 0 : i32
    return %c0_i32, %arg0, %c0_i32_0 : i32, i32, i32
  }
  func.func @transform_1(%arg0: i32) -> (i32, i32) {
    %c0_i32 = arith.constant 0 : i32
    %c0_i32_0 = arith.constant 0 : i32
    return %arg0, %c0_i32 : i32, i32
  }
  func.func @transform_2(%arg0: i32) -> (i32, i32) {
    %c0_i32 = arith.constant 0 : i32
    %c0_i32_0 = arith.constant 0 : i32
    return %arg0, %c0_i32 : i32, i32
  }
  func.func @transform_3(%arg0: i32) -> (i32, i32) {
    %c0_i32 = arith.constant 0 : i32
    %c0_i32_0 = arith.constant 0 : i32
    return %arg0, %c0_i32 : i32, i32
  }
  func.func @transform_4(%arg0: i32) -> (i32, i32) {
    %c0_i32 = arith.constant 0 : i32
    %c0_i32_0 = arith.constant 0 : i32
    %c0_i32_1 = arith.constant 0 : i32
    return %c0_i32, %c0_i32_0 : i32, i32
  }
  func.func @transform_5(%arg0: i32) -> (i32, i32) {
    %c0_i32 = arith.constant 0 : i32
    %c0_i32_0 = arith.constant 0 : i32
    %c0_i32_1 = arith.constant 0 : i32
    return %c0_i32, %c0_i32_0 : i32, i32
  }
  func.func @transform_6(%arg0: i32) -> (i32, i32) {
    %c0_i32 = arith.constant 0 : i32
    %c0_i32_0 = arith.constant 0 : i32
    %c0_i32_1 = arith.constant 0 : i32
    return %c0_i32, %c0_i32_0 : i32, i32
  }
  func.func @transform_7(%arg0: i32) -> (i32, i32) {
    %c0_i32 = arith.constant 0 : i32
    %c0_i32_0 = arith.constant 0 : i32
    %c0_i32_1 = arith.constant 0 : i32
    return %c0_i32, %c0_i32_0 : i32, i32
  }
  func.func @transform_8(%arg0: i32) -> (i32, i32) {
    %c0_i32 = arith.constant 0 : i32
    %c0_i32_0 = arith.constant 0 : i32
    return %arg0, %c0_i32 : i32, i32
  }
  func.func @transform_9(%arg0: i32) -> (i32, i32) {
    %c0_i32 = arith.constant 0 : i32
    %c0_i32_0 = arith.constant 0 : i32
    return %arg0, %c0_i32 : i32, i32
  }
  func.func @transform_10(%arg0: i32) -> (i32, i32) {
    %c0_i32 = arith.constant 0 : i32
    %c0_i32_0 = arith.constant 0 : i32
    return %arg0, %c0_i32 : i32, i32
  }
  func.func @transform_11(%arg0: i32) -> (i32, i32) {
    %c0_i32 = arith.constant 0 : i32
    %c0_i32_0 = arith.constant 0 : i32
    return %arg0, %c0_i32 : i32, i32
  }
}

</mosaic_0001>

<sc_bundles>
// kernel: kernel.11.cloned.1.call-start
scs
__scs_entry_jumppad:
0x0: {  	(pc) =	sbr.rel $0x88, $3  }
0x1: {  	(tag) =	ssettag $0x0;
	lr =	simm.s32 $0x1  }
0x2: {  	[smem:$0x3F7C] =	sst lr;
	_ =	strace $0xD0000000  }
0x3: {  	_ = 	snop  }
0x4: {  	_ = 	snop  }
0x5: {  	_ = 	snop  }
0x6: {  	_ = 	snop  }
0x7: {  	_ = 	snop  }
__scs_overlays_trampoline_lowered:
0x8: {  	[smem:$0x3F8B] =	sst s0  }
0x9: {  	[smem:$0x3F8C] =	sst s1  }
0xa: {  	[smem:$0x3F8D] =	sst s2  }
0xb: {  	[smem:$0x3F8E] =	sst s3  }
0xc: {  	[smem:$0x3F8F] =	sst s4  }
0xd: {  	[smem:$0x3F90] =	sst s5  }
0xe: {  	[smem:$0x3F91] =	sst s6  }
0xf: {  	[smem:$0x3F92] =	sst s7  }
0x10: {  	[smem:$0x3F93] =	sst s8  }
0x11: {  	[smem:$0x3F94] =	sst s9;
	s0 =	simm.s32 @!p0 $0x0  }
0x12: {  	s1 =	sld [smem:$0x3F7A];
	s0 =	simm.s32 @p0 $0x1  }
0x13: {  	[smem:$0x3F95] =	sst s0;
	s0 =	simm.s32 @!p1 $0x0  }
0x14: {  	s2 =	sld [smem:$0x3F79];
	s0 =	simm.s32 @p1 $0x1  }
0x15: {  	[smem:$0x3F96] =	sst s0;
	s0 =	simm.s32 @!p2 $0x0  }
0x16: {  	s3 =	sld [smem:$0x3FDB];
	s0 =	simm.s32 @p2 $0x1  }
0x17: {  	s4 =	simm.s32 $0x1BF5;
	[smem:$0x3F98] =	sst s0  }
0x18: {  	s0 =	sld [smem:$0x3F7B];
	_ =	swait.ge [sflag:s4], $0x0  }
0x19: {  	s7 =	sld [smem:$0x3F7C]  }
0x1a: {  	s8 =	sadd.s32 $0xFFFFE003, lr  }
0x1b: {  	s9 =	sadd.s32 $0xFFFFFEF7, lr;
	s5 =	simm.s32 $0xFFFFFFFF;
	p2 =	slt.u32 s8, $0xFFFFF086  }
0x1c: {  	p1 =	slt.u32 s9, $0xF7A;
	s5 =	simm.s32 @!p2 $0x0  }
0x1d: {  	s5 =	simm.s32 @p1 $0x1;
	p0 =	seq.s32 s7, s2  }
0x1e: {  	s7 =	smul.u32 @!p0 $0xF7A, s2;
	p2 =	seq.s32 @!p0 s5, $0x0  }
0x1f: {  	s9 =	smul.u32 $0xF7A, s1;
	s8 =	simm.s32 @!p0 $0x1BF5;
	p2 =	por !p2, p0  }
0x20: {  	[sflag:s8] =	ssyncset.s32 @!p0 $0xFFFFF086;
	s6 =	sadd.s32 @!p0 s3, s7;
	s7 =	simm.s32 @!p0 $0x108  }
0x21: {  	s3 =	sadd.s32 s3, s9;
	s6 =	sadd.s32 @!p0 $0x88, s6;
	s7 =	simm.s32 @p2 $0x1082  }
0x22: {  	[simem:s7], [sflag:s8] =	dma.local @!p0 [hbm:s6], $0xF7A  }
0x23: {  	s9 =	sor.u32 $0xD0000000, s2;
	s6 =	simm.s32 $0x108;
	_ =	swait.ge @!p0 [sflag:s8], $0x0  }
0x24: {  	s3 =	sadd.s32 $0x88, s3;
	s6 =	simm.s32 @!p1 $0x1082;
	[sflag:s4] =	ssyncset.s32 $0xFFFFF086  }
0x25: {  	[simem:s6], [sflag:s4] =	dma.local [hbm:s3], $0xF7A  }
0x26: {  	[smem:$0x3F7C] =	sst s1;
	(tag) =	ssettag s2;
	_ =	strace s9  }
0x27: {  	s1 =	sld [smem:$0x3F8C]  }
0x28: {  	s2 =	sld [smem:$0x3F8D]  }
0x29: {  	s4 =	sld [smem:$0x3F8F]  }
0x2a: {  	p0 =	seq.s32 s5, $0x0;
	s5 =	sld [smem:$0x3F90]  }
0x2b: {  	s6 =	sld [smem:$0x3F91]  }
0x2c: {  	s7 =	sld [smem:$0x3F92]  }
0x2d: {  	s3 =	simm.s32 $0x108;
	s8 =	sld [smem:$0x3F93]  }
0x2e: {  	s3 =	simm.s32 @!p0 $0x1082;
	s9 =	sld [smem:$0x3F94]  }
0x2f: {  	lr =	sadd.s32 s0, s3;
	s0 =	sld [smem:$0x3F8B]  }
0x30: {  	s3 =	sld [smem:$0x3F8E]  }
0x31: {  	[smem:$0x3F97] =	sst s10  }
0x32: {  	s10 =	sld [smem:$0x3F95];
	_ =	sdelay $0x3  }
0x33: {  	p0 =	seq.s32 s10, $0x1;
	s10 =	sld [smem:$0x3F97];
	_ =	sdelay $0x3  }
0x34: {  	[smem:$0x3F97] =	sst s10  }
0x35: {  	s10 =	sld [smem:$0x3F96];
	_ =	sdelay $0x3  }
0x36: {  	p1 =	seq.s32 s10, $0x1;
	s10 =	sld [smem:$0x3F97];
	_ =	sdelay $0x3  }
0x37: {  	[smem:$0x3F97] =	sst s10  }
0x38: {  	s10 =	sld [smem:$0x3F98]  }
0x39: {  	_ = 	snop;
	(pc) =	sbr.ind lr, $3  }
0x3a: {  	_ = 	snop  }
0x3b: {  	_ = 	snop  }
0x3c: {  	p2 =	seq.s32 s10, $0x1;
	s10 =	sld [smem:$0x3F97]  }
0x3d: {  	_ =	shalt  }
0x3e: {  	_ =	shalt  }
0x3f: {  	_ =	shalt  }
0x40: {  	_ =	shalt  }
0x41: {  	_ =	shalt  }
0x42: {  	_ =	shalt  }
0x43: {  	_ =	shalt  }
0x44: {  	_ =	shalt  }
0x45: {  	_ =	shalt  }
0x46: {  	_ =	shalt  }
0x47: {  	_ =	shalt  }
0x48: {  	_ =	shalt  }
0x49: {  	_ =	shalt  }
0x4a: {  	_ =	shalt  }
0x4b: {  	_ =	shalt  }
0x4c: {  	_ =	shalt  }
0x4d: {  	_ =	shalt  }
0x4e: {  	_ =	shalt  }
0x4f: {  	_ =	shalt  }
0x50: {  	_ =	shalt  }
0x51: {  	_ =	shalt  }
0x52: {  	_ =	shalt  }
0x53: {  	_ =	shalt  }
0x54: {  	_ =	shalt  }
0x55: {  	_ =	shalt  }
0x56: {  	_ =	shalt  }
0x57: {  	_ =	shalt  }
0x58: {  	_ =	shalt  }
0x59: {  	_ =	shalt  }
0x5a: {  	_ =	shalt  }
0x5b: {  	_ =	shalt  }
0x5c: {  	_ =	shalt  }
0x5d: {  	_ =	shalt  }
0x5e: {  	_ =	shalt  }
0x5f: {  	_ =	shalt  }
0x60: {  	_ =	shalt  }
0x61: {  	_ =	shalt  }
0x62: {  	_ =	shalt  }
0x63: {  	_ =	shalt  }
0x64: {  	_ =	shalt  }
0x65: {  	_ =	shalt  }
0x66: {  	_ =	shalt  }
0x67: {  	_ =	shalt  }
0x68: {  	_ =	shalt  }
0x69: {  	_ =	shalt  }
0x6a: {  	_ =	shalt  }
0x6b: {  	_ =	shalt  }
0x6c: {  	_ =	shalt  }
0x6d: {  	_ =	shalt  }
0x6e: {  	_ =	shalt  }
0x6f: {  	_ =	shalt  }
0x70: {  	_ =	shalt  }
0x71: {  	_ =	shalt  }
0x72: {  	_ =	shalt  }
0x73: {  	_ =	shalt  }
0x74: {  	_ =	shalt  }
0x75: {  	_ =	shalt  }
0x76: {  	_ =	shalt  }
0x77: {  	_ =	shalt  }
0x78: {  	_ =	shalt  }
0x79: {  	_ =	shalt  }
0x7a: {  	_ =	shalt  }
0x7b: {  	_ =	shalt  }
0x7c: {  	_ =	shalt  }
0x7d: {  	_ =	shalt  }
0x7e: {  	_ =	shalt  }
0x7f: {  	_ =	shalt  }
0x80: {  	_ =	shalt  }
0x81: {  	_ =	shalt  }
0x82: {  	_ =	shalt  }
0x83: {  	_ =	shalt  }
0x84: {  	_ =	shalt  }
0x85: {  	_ =	shalt  }
0x86: {  	_ =	shalt  }
0x87: {  	_ =	shalt  }
.Lfunc_end0:
.L_simem_size_0:
called_computation_lowered:
.L_overlay_start_0:
0x88: {  	s2 =	sld [smem:$0x3FD9]  }
0x89: {  	s3 =	sld [smem:$0x3FFE];
	_ =	sdelay $0x1  }
0x8a: {  	s1 =	srdreg.scid  }
0x8b: {  	s0 =	sand.u32 $0x1, s1  }
0x8c: {  	s14 =	sshll.u32 s0, $0xA;
	s2 =	sadd.s32 s3, s2  }
0x8d: {  	s2 =	sadd.s32 s2, s14  }
0x8e: {  	[smem:$0x3FA3] =	sst s2  }
0x8f: {  	_ = 	snop  }
0x90: {  	s2 =	sld [smem:$0x3FD0];
	_ =	sdelay $0x2  }
0x91: {  	s15 =	simm.s32 $0xA;
	s4 =	simm.s32 $0x10  }
0x92: {  	[smem:s4], [sflag:s15] =	dma.local [hbm:s2], $0x1  }
0x93: {  	_ =	swait.eq [sflag:s15], $0x1  }
0x94: {  	[sflag:s15] =	ssyncset.done $0x0  }
0x95: {  	[sflag:s15] =	ssyncadd.s32 $0xFFFFFFFF  }
0x96: {  	s16 =	sld [smem:$0x10];
	(tm) =	ssettm $0x1  }
0x97: {  	s17 =	sld [smem:$0x3FFB];
	_ =	sdelay $0x3  }
0x98: {  	_ =	strace s17  }
0x99: {  	s3 =	sld [smem:$0x3FFC];
	_ =	sdelay $0x3  }
0x9a: {  	_ =	strace s3  }
0x9b: {  	s3 =	sld [smem:$0x3FFD];
	_ =	sdelay $0x3  }
0x9c: {  	_ =	strace s3  }
0x9d: {  	_ =	strace $0x8FFFFFFF  }
0x9e: {  	s18 =	sld [smem:$0x3FDB];
	_ =	sdelay $0x1  }
0x9f: {  	s19 =	simm.s32 $_scs_section_size  }
0xa0: {  	s5 =	simm.s32 $_size__tile_overlayer_lowered;
	s6 =	simm.s32 $_tile_overlayer_lowered  }
0xa1: {  	s22 =	simm.s32 $0x1BFF;
	s21 =	sshll.u32 s6, $0x1;
	s3 =	sadd.s32 s19, s18  }
0xa2: {  	s7 =	simm.s32 $0x0;
	s20 =	sshll.u32 s5, $0x1;
	s5 =	sadd.s32 s21, s3  }
0xa3: {  	[timem:s7], [sflag:s22] =	dma.local [hbm:s5], s20  }
0xa4: {  	_ =	swait.ge [sflag:s22], s20  }
0xa5: {  	s4 =	ssub.s32 $0x0, s20;
	[sflag:s22] =	ssyncset.done $0x0  }
0xa6: {  	[sflag:s22] =	ssyncadd.s32 s4;
	_ =	sdelay $0x1  }
0xa7: {  	s23 =	simm.s32 $0x1B8B  }
0xa8: {  	_ =	swait.ge [sflag:s23], $0x1  }
0xa9: {  	[sflag:s23] =	ssyncset.done $0x0  }
0xaa: {  	s25 =	simm.s32 $0x1B8E;
	s24 =	sld [smem:$0x3FFE];
	[sflag:s23] =	ssyncadd.s32 $0xFFFFFFFF  }
0xab: {  	s26 =	simm.s32 $execute0_lowered;
	[smem:$0x3FD2] =	sst s25  }
0xac: {  	s5 =	sshll.u32 s26, $0x1;
	_ =	strace $0x80000046;
	[dreg:$0x1] =	wrdreg $0xFFFFFFFF  }
0xad: {  	s28 =	simm.s32 $_size_execute0_lowered;
	s3 =	sadd.s32 s3, s5;
	[dreg:$0x0] =	wrdreg $0x0  }
0xae: {  	s5 =	sshll.u32 s28, $0x1;
	[dreg:$0x2] =	wrdreg s3  }
0xaf: {  	[dreg:$0x3] =	wrdreg s5  }
0xb0: {  	[dreg:$0x4] =	wrdreg $0xC0  }
0xb1: {  	_ =	task [dreg:s7], $0x5FFFF  }
0xb2: {  	[dreg:$0x1] =	wrdreg $0xFFFFFFFF  }
0xb3: {  	[dreg:$0x0] =	wrdreg $0x60  }
0xb4: {  	[dreg:$0x2] =	wrdreg s24  }
0xb5: {  	[dreg:$0x3] =	wrdreg s16  }
0xb6: {  	[dreg:$0x4] =	wrdreg $0x90000  }
0xb7: {  	[dreg:$0x5] =	wrdreg $0x9  }
0xb8: {  	_ =	task.clear_ibuf [dreg:s7], $0x6FFFF;
	_ =	strace $0x90000046  }
0xb9: {  	s29 =	simm.s32 $0x9;
	_ =	strace $0x80000048  }
0xba: {  	_ =	swait.ge [sflag:s29], $0x1  }
0xbb: {  	[sflag:s29] =	ssyncadd.s32 $0xFFFFFFFF  }
0xbc: {  	_ =	strace $0x90000048  }
0xbd: {  	_ =	sfence  }
0xbe: {  	s30 =	sld [smem:$0x0];
	_ =	sdelay $0x2  }
0xbf: {  	s31 =	sshll.u32 s1, $0xD;
	s1 =	sshrl.u32 s1, $0x2  }
0xc0: {  	s3 =	sand.u32 $0x4000, s31;
	s1 =	sadd.s32 s1, s30  }
0xc1: {  	s0 =	sor.u32 s3, s0;
	s1 =	sshll.u32 s1, $0x11  }
0xc2: {  	s0 =	sor.u32 s1, s0  }
0xc3: {  	s0 =	sadd.s32 $0x8F2B, s0  }
0xc4: {  	[sflag:s0] =	ssyncadd.remote.s32 $0x1  }
0xc5: {  	_ =	sfence.sel $0xFFFF  }
0xc6: {  	[dreg:$0x0] =	wrdreg $0xFFFFFFFF;
	(pc) =	sbr.abs _section_cstart, $3  }
0xc7: {  	[dreg:$0x1] =	wrdreg $0xFFFFFFFF  }
0xc8: {  	_ =	task.clear_ibuf [dreg:s7], $0x2FFFF;
	_ =	strace $0x9FFFFFFF  }
0xc9: {  	(tm) =	ssettm $0x7FFFFFFF  }
tec
execute0_lowered:
.L_overlay_start_1:
0x0: {  	(tag) =	ssettag $0x1  }
0x1: {  	s0 =	srdreg.scid;
	s5 =	rddreg [dreg:$0x0]  }
0x2: {  	s7 =	rddreg [dreg:$0x1];
	s6 =	sand.u32 $0x1, s0  }
0x3: {  	s0 =	stileid.u32;
	s9 =	smul.u32 $0x28000, s6  }
0x4: {  	s2 =	rddreg [dreg:$0x2];
	s3 =	simm.s32 $0x0;
	s10 =	smul.u32 $0x50000, s0  }
0x5: {  	[smem:$0x7FF] =	sst s3;
	s1 =	sshll.u32 s6, $0x4;
	s13 =	smul.u32 $0x280, s0  }
0x6: {  	s6 =	ssub.s32 $0x2, s6;
	s16 =	smul.u32 $0x2800, s0;
	s4 =	sor.u32 s0, s1  }
0x7: {  	s1 =	rddreg [dreg:$0x3];
	_ =	strace $0x80000047;
	s26 =	sshrl.u32 s6, $0x1  }
0x8: {  	s8 =	smul.u32 $0x500, s4;
	s4 =	sadd.s32 $0x11400, s5;
	s9 =	sadd.s32 s9, s5  }
0x9: {  	s10 =	sshrl.u32 s10, $0x2;
	s12 =	ssub.s32 s6, s26;
	s14 =	sadd.s32 $0x80, s13  }
0xa: {  	s17 =	sadd.s32 $0x100, s13;
	s29 =	sadd.s32 $0x180, s13;
	s13 =	sadd.s32 $0x200, s13  }
0xb: {  	s20 =	sadd.s32 $0x39400, s9;
	s15 =	sshll.u32 s14, $0x7;
	s18 =	sshll.u32 s14, $0x4  }
0xc: {  	s28 =	sshll.u32 s17, $0x7;
	s19 =	sshll.u32 s17, $0x4;
	s30 =	sshll.u32 s29, $0x7  }
0xd: {  	s31 =	sshll.u32 s13, $0x7;
	s21 =	sshll.u32 s29, $0x4;
	s26 =	sshll.u32 s13, $0x4  }
0xe: {  	s13 =	simm.s32 $0x5000;
	s14 =	simm.s32 $0x2;
	s11 =	sadd.s32 s8, s5  }
0xf: {  	s5 =	sadd.s32 s10, s2;
	s6 =	sadd.s32 s7, s8;
	s8 =	smax.u32 s12, $0x1  }
0x10: {  	s22 =	sadd.s32 s15, s2;
	s23 =	sadd.s32 s28, s2;
	s24 =	sadd.s32 s30, s2  }
0x11: {  	s25 =	sadd.s32 s31, s2;
	s15 =	simm.s32 $0x2800;
	s16 =	sadd.s32 s16, s20  }
0x12: {  	s17 =	sadd.s32 s18, s20;
	s18 =	sadd.s32 s19, s20;
	s19 =	sadd.s32 s21, s20  }
0x13: {  	s20 =	sadd.s32 s26, s20;
	s21 =	simm.s32 $0x80;
	s26 =	simm.s32 $0x1  }
0x14: {  	s7 =	sadd.s32 $0x7400, s11;
	s9 =	sadd.s32 $0x4000, s5;
	s10 =	sadd.s32 $0x8000, s5  }
0x15: {  	s11 =	sadd.s32 $0xC000, s5;
	s12 =	sadd.s32 $0x10000, s5;
	s22 =	sshrl.u32 s22, $0x3  }
0x16: {  	v0 =	vimm.f32 $0.0e+00;
	s23 =	sshrl.u32 s23, $0x3;
	s24 =	sshrl.u32 s24, $0x3;
	s25 =	sshrl.u32 s25, $0x3  }
.LBB2_1:
0x17: {  	s28 =	simm.s32 $0x0;
	s29 =	simm.s32 $0x200  }
.LBB2_2:
0x18: {  	p0 =	sne.s32 s29, $0xFE00;
	[tilespmem:s28+$0x5070] =	vst v0  }
0x19: {  	[tilespmem:s28+$0x5000] =	vst v0  }
0x1a: {  	[tilespmem:s28+$0x5010] =	vst v0  }
.Ltmp0:
0x1b: {  	[tilespmem:s28+$0x5020] =	vst v0;
	(pc) =	sbr.rel @p0 .LBB2_2-.Ltmp0, $4  }
0x1c: {  	[tilespmem:s28+$0x5030] =	vst v0  }
0x1d: {  	[tilespmem:s28+$0x5040] =	vst v0  }
0x1e: {  	[tilespmem:s28+$0x5050] =	vst v0  }
0x1f: {  	[tilespmem:s28+$0x5060] =	vst v0;
	s28 =	sshra.s32 s29, $0x2;
	s29 =	sadd.s32 $0x200, s29  }
0x20: {  	[tilespmem:s28+$0x5070] =	vst v0  }
0x21: {  	[tilespmem:s28+$0x5000] =	vst v0  }
0x22: {  	[tilespmem:s28+$0x5010] =	vst v0  }
0x23: {  	[tilespmem:s28+$0x5020] =	vst v0  }
0x24: {  	[tilespmem:s28+$0x5030] =	vst v0  }
0x25: {  	[tilespmem:s28+$0x5040] =	vst v0  }
0x26: {  	[tilespmem:s28+$0x5050] =	vst v0  }
0x27: {  	[tilespmem:s28+$0x5060] =	vst v0  }
0x28: {  	[spmem:s5] =	stream.linear.scatter [tilespmem:s13], [sflag:$0x2], $0x4000, $0x38;
	[tilespmem:$0x1D000] =	vst v63  }
0x29: {  	_ =	swait.ge [sflag:s14], $0x4000  }
0x2a: {  	[sflag:s14] =	ssyncset.done $0x0  }
0x2b: {  	[sflag:s14] =	ssyncadd.s32 $0xFFFFC000  }
0x2c: {  	[spmem:s9] =	stream.linear.scatter [tilespmem:s13], [sflag:$0x2], $0x4000, $0x38;
	[tilespmem:$0x1D000] =	vst v63  }
0x2d: {  	_ =	swait.ge [sflag:s14], $0x4000  }
0x2e: {  	[sflag:s14] =	ssyncset.done $0x0  }
0x2f: {  	[sflag:s14] =	ssyncadd.s32 $0xFFFFC000  }
0x30: {  	[spmem:s10] =	stream.linear.scatter [tilespmem:s13], [sflag:$0x2], $0x4000, $0x38;
	[tilespmem:$0x1D000] =	vst v63  }
0x31: {  	_ =	swait.ge [sflag:s14], $0x4000  }
0x32: {  	[sflag:s14] =	ssyncset.done $0x0  }
0x33: {  	[sflag:s14] =	ssyncadd.s32 $0xFFFFC000  }
0x34: {  	[spmem:s11] =	stream.linear.scatter [tilespmem:s13], [sflag:$0x2], $0x4000, $0x38;
	[tilespmem:$0x1D000] =	vst v63  }
0x35: {  	_ =	swait.ge [sflag:s14], $0x4000  }
0x36: {  	[sflag:s14] =	ssyncset.done $0x0  }
0x37: {  	[sflag:s14] =	ssyncadd.s32 $0xFFFFC000  }
0x38: {  	[spmem:s12] =	stream.linear.scatter [tilespmem:s13], [sflag:$0x2], $0x4000, $0x38;
	[tilespmem:$0x1D000] =	vst v63  }
0x39: {  	_ =	swait.ge [sflag:s14], $0x4000  }
0x3a: {  	[sflag:s14] =	ssyncset.done $0x0  }
0x3b: {  	[sflag:s14] =	ssyncadd.s32 $0xFFFFC000  }
0x3c: {  	s28 =	simm.s32 $0x0;
	[bflag:$0x0] =	sbarrier.arrive $0xFFFF  }
0x3d: {  	[tilespmem:s28], [sflag:$0x2] =	stream.linear.gather [hbm4b:s6+s28], $0x2780, $0x38;
	[tilespmem:$0x1D000] =	vst v63  }
0x3e: {  	_ =	swait.ge [sflag:s14], $0x2780  }
0x3f: {  	[sflag:s14] =	ssyncset.done $0x0  }
0x40: {  	[sflag:s14] =	ssyncadd.s32 $0xFFFFD880  }
0x41: {  	[tilespmem:s15], [sflag:$0x2] =	stream.linear.gather [hbm4b:s7+s28], $0x2780, $0x38;
	[tilespmem:$0x1D000] =	vst v63  }
0x42: {  	_ =	swait.ge [sflag:s14], $0x2780  }
0x43: {  	[sflag:s14] =	ssyncset.done $0x0  }
0x44: {  	s28 =	simm.s32 $0x0;
	[sflag:s14] =	ssyncadd.s32 $0xFFFFD880  }
0x45: {  	[tilespmem:s13], [sflag:$0x1] =	stream.indirect.gather [hbm4b:s4+s21], $0x80, s28, s21, $0xb8;
	[tilespmem:$0x1D000] =	vst v63  }
0x46: {  	_ =	swait.ge [sflag:s26], $0x4000  }
0x47: {  	[sflag:s26] =	ssyncset.done $0x0  }
0x48: {  	s28 =	simm.s32 $0x2800;
	[sflag:s26] =	ssyncadd.s32 $0xFFFFC000  }
0x49: {  	[spmem:s2] =	stream.indirect.scatter.add.f32 [tilespmem:s13], [sflag:$0x2], $0x80, s28, s21, $0xb8;
	[tilespmem:$0x1D000] =	vst v63  }
0x4a: {  	_ =	swait.ge [sflag:s14], $0x4000  }
0x4b: {  	s29 =	simm.s32 $0x400;
	s28 =	simm.s32 $0x200;
	[sflag:s14] =	ssyncset.done $0x0  }
.LBB2_4:
0x4c: {  	s30 =	sshra.s32 s28, $0x2  }
0x4d: {  	[sflag:s14] =	ssyncadd.s32 $0xFFFFC000;
	s28 =	smov.u32 s29;
	s31 =	sadd.s32 $0x200, s29  }
0x4e: {  	[tilespmem:s13], [sflag:$0x1] =	stream.indirect.gather [hbm4b:s4+s21], $0x80, s30, s21, $0xb8;
	[tilespmem:$0x1D000] =	vst v63  }
0x4f: {  	p0 =	sne.s32 s29, $0x9C00;
	_ =	swait.ge [sflag:s26], $0x4000  }
.Ltmp1:
0x50: {  	[sflag:s26] =	ssyncset.done $0x0;
	(pc) =	sbr.rel @p0 .LBB2_4-.Ltmp1, $4  }
0x51: {  	s29 =	sadd.s32 $0x2800, s30;
	[sflag:s26] =	ssyncadd.s32 $0xFFFFC000  }
0x52: {  	[spmem:s2] =	stream.indirect.scatter.add.f32 [tilespmem:s13], [sflag:$0x2], $0x80, s29, s21, $0xb8;
	[tilespmem:$0x1D000] =	vst v63  }
0x53: {  	_ =	swait.ge [sflag:s14], $0x4000  }
0x54: {  	s29 =	smov.u32 s31;
	[sflag:s14] =	ssyncset.done $0x0  }
0x55: {  	s28 =	sshra.s32 s28, $0x2;
	[sflag:s14] =	ssyncadd.s32 $0xFFFFC000  }
0x56: {  	[tilespmem:s13], [sflag:$0x1] =	stream.indirect.gather [hbm4b:s4+s21], $0x80, s28, s21, $0xb8;
	[tilespmem:$0x1D000] =	vst v63  }
0x57: {  	_ =	swait.ge [sflag:s26], $0x4000  }
0x58: {  	[sflag:s26] =	ssyncset.done $0x0  }
0x59: {  	s28 =	sadd.s32 $0x2800, s28;
	[sflag:s26] =	ssyncadd.s32 $0xFFFFC000  }
0x5a: {  	[spmem:s2] =	stream.indirect.scatter.add.f32 [tilespmem:s13], [sflag:$0x2], $0x80, s28, s21, $0xb8;
	[tilespmem:$0x1D000] =	vst v63  }
0x5b: {  	_ =	swait.ge [sflag:s14], $0x4000  }
0x5c: {  	[sflag:s14] =	ssyncset.done $0x0  }
0x5d: {  	s31 =	sshll.u32 s0, $0x6;
	[sflag:s14] =	ssyncadd.s32 $0xFFFFC000  }
0x5e: {  	s29 =	sshrl.u32 s5, $0x3;
	s28 =	sor.u32 $0x1C02, s31;
	[bflag:$0x0] =	sbarrier.arrive $0xFFFF  }
0x5f: {  	[hbm:s16], [sflag:s28] =	dma.local [spmem:s29], $0x800  }
0x60: {  	_ =	swait.ge [sflag:s14], $0x800  }
0x61: {  	[sflag:s14] =	ssyncset.done $0x0  }
0x62: {  	[sflag:s14] =	ssyncadd.s32 $0xFFFFF800  }
0x63: {  	[hbm:s17], [sflag:s28] =	dma.local [spmem:s22], $0x800  }
0x64: {  	_ =	swait.ge [sflag:s14], $0x800  }
0x65: {  	[sflag:s14] =	ssyncset.done $0x0  }
0x66: {  	[sflag:s14] =	ssyncadd.s32 $0xFFFFF800  }
0x67: {  	[hbm:s18], [sflag:s28] =	dma.local [spmem:s23], $0x800  }
0x68: {  	_ =	swait.ge [sflag:s14], $0x800  }
0x69: {  	[sflag:s14] =	ssyncset.done $0x0  }
0x6a: {  	[sflag:s14] =	ssyncadd.s32 $0xFFFFF800  }
0x6b: {  	[hbm:s19], [sflag:s28] =	dma.local [spmem:s24], $0x800  }
0x6c: {  	s3 =	sadd.s32 $0x1, s3;
	_ =	swait.ge [sflag:s14], $0x800  }
0x6d: {  	p0 =	sne.s32 s3, s8;
	[sflag:s14] =	ssyncset.done $0x0  }
.Ltmp2:
0x6e: {  	[sflag:s14] =	ssyncadd.s32 $0xFFFFF800;
	(pc) =	sbr.rel @p0 .LBB2_1-.Ltmp2, $4  }
0x6f: {  	[hbm:s20], [sflag:s28] =	dma.local [spmem:s25], $0x800  }
0x70: {  	_ =	swait.ge [sflag:s14], $0x800  }
0x71: {  	[sflag:s14] =	ssyncset.done $0x0  }
0x72: {  	[sflag:s14] =	ssyncadd.s32 $0xFFFFF800  }
0x73: {  	_ =	sfence.sel $0x180000  }
0x74: {  	[bflag:$0x0] =	sbarrier.arrive $0xFFFF  }
0x75: {  	p0 =	sne.s32 s0, $0x0;
	_ =	strace $0x90000047  }
0x76: {  	s0 =	sadd.s32 @!p0 $0x100000, s1;
	[bflag:$0x2] =	sbarrier.arrive $0xFFFF  }
0x77: {  	[sflag:s0] =	ssyncadd.tile.s32 @!p0 $0x1;
	_ =	shalt  }
.Lfunc_end2:
_tile_overlayer_lowered:
.L_overlay_start_2:
0x78: {  	(tag) =	ssettag $0x2  }
0x79: {  	s0 =	rddreg [dreg:$0x0];
	s2 =	stileid.u32  }
0x7a: {  	s1 =	rddreg [dreg:$0x1];
	p0 =	sne.s32 s2, $0x0  }
0x7b: {  	s3 =	rddreg [dreg:$0x2];
	[bflag:$0x3] =	sbarrier.arrive $0xFFFF;
	s2 =	simm.s32 @!p0 $0x1C02  }
0x7c: {  	[timem:s3], [sflag:s2] =	dma.local @!p0 [hbm:s0], s1  }
0x7d: {  	s0 =	simm.s32 @!p0 $0x2  }
0x7e: {  	_ =	swait.ge @!p0 [sflag:s0], s1  }
0x7f: {  	s1 =	ssub.s32 @!p0 $0x0, s1;
	[sflag:s0] =	ssyncset.done @!p0 $0x0  }
0x80: {  	[sflag:s0] =	ssyncadd.s32 @!p0 s1  }
0x81: {  	[bflag:$0x3] =	sbarrier.arrive $0xFFFF  }
0x82: {  	_ =	shalt  }

// kernel: kernel.14.cloned.1.call-start
scs
__scs_entry_jumppad:
0x0: {  	(pc) =	sbr.rel $0x88, $3  }
0x1: {  	(tag) =	ssettag $0x0;
	lr =	simm.s32 $0x1  }
0x2: {  	[smem:$0x3F7C] =	sst lr;
	_ =	strace $0xD0000000  }
0x3: {  	_ = 	snop  }
0x4: {  	_ = 	snop  }
0x5: {  	_ = 	snop  }
0x6: {  	_ = 	snop  }
0x7: {  	_ = 	snop  }
__scs_overlays_trampoline_lowered:
0x8: {  	[smem:$0x3F8B] =	sst s0  }
0x9: {  	[smem:$0x3F8C] =	sst s1  }
0xa: {  	[smem:$0x3F8D] =	sst s2  }
0xb: {  	[smem:$0x3F8E] =	sst s3  }
0xc: {  	[smem:$0x3F8F] =	sst s4  }
0xd: {  	[smem:$0x3F90] =	sst s5  }
0xe: {  	[smem:$0x3F91] =	sst s6  }
0xf: {  	[smem:$0x3F92] =	sst s7  }
0x10: {  	[smem:$0x3F93] =	sst s8  }
0x11: {  	[smem:$0x3F94] =	sst s9;
	s0 =	simm.s32 @!p0 $0x0  }
0x12: {  	s1 =	sld [smem:$0x3F7A];
	s0 =	simm.s32 @p0 $0x1  }
0x13: {  	[smem:$0x3F95] =	sst s0;
	s0 =	simm.s32 @!p1 $0x0  }
0x14: {  	s2 =	sld [smem:$0x3F79];
	s0 =	simm.s32 @p1 $0x1  }
0x15: {  	[smem:$0x3F96] =	sst s0;
	s0 =	simm.s32 @!p2 $0x0  }
0x16: {  	s3 =	sld [smem:$0x3FDB];
	s0 =	simm.s32 @p2 $0x1  }
0x17: {  	s4 =	simm.s32 $0x1BF5;
	[smem:$0x3F98] =	sst s0  }
0x18: {  	s0 =	sld [smem:$0x3F7B];
	_ =	swait.ge [sflag:s4], $0x0  }
0x19: {  	s7 =	sld [smem:$0x3F7C]  }
0x1a: {  	s8 =	sadd.s32 $0xFFFFE003, lr  }
0x1b: {  	s9 =	sadd.s32 $0xFFFFFEF7, lr;
	s5 =	simm.s32 $0xFFFFFFFF;
	p2 =	slt.u32 s8, $0xFFFFF086  }
0x1c: {  	p1 =	slt.u32 s9, $0xF7A;
	s5 =	simm.s32 @!p2 $0x0  }
0x1d: {  	s5 =	simm.s32 @p1 $0x1;
	p0 =	seq.s32 s7, s2  }
0x1e: {  	s7 =	smul.u32 @!p0 $0xF7A, s2;
	p2 =	seq.s32 @!p0 s5, $0x0  }
0x1f: {  	s9 =	smul.u32 $0xF7A, s1;
	s8 =	simm.s32 @!p0 $0x1BF5;
	p2 =	por !p2, p0  }
0x20: {  	[sflag:s8] =	ssyncset.s32 @!p0 $0xFFFFF086;
	s6 =	sadd.s32 @!p0 s3, s7;
	s7 =	simm.s32 @!p0 $0x108  }
0x21: {  	s3 =	sadd.s32 s3, s9;
	s6 =	sadd.s32 @!p0 $0x88, s6;
	s7 =	simm.s32 @p2 $0x1082  }
0x22: {  	[simem:s7], [sflag:s8] =	dma.local @!p0 [hbm:s6], $0xF7A  }
0x23: {  	s9 =	sor.u32 $0xD0000000, s2;
	s6 =	simm.s32 $0x108;
	_ =	swait.ge @!p0 [sflag:s8], $0x0  }
0x24: {  	s3 =	sadd.s32 $0x88, s3;
	s6 =	simm.s32 @!p1 $0x1082;
	[sflag:s4] =	ssyncset.s32 $0xFFFFF086  }
0x25: {  	[simem:s6], [sflag:s4] =	dma.local [hbm:s3], $0xF7A  }
0x26: {  	[smem:$0x3F7C] =	sst s1;
	(tag) =	ssettag s2;
	_ =	strace s9  }
0x27: {  	s1 =	sld [smem:$0x3F8C]  }
0x28: {  	s2 =	sld [smem:$0x3F8D]  }
0x29: {  	s4 =	sld [smem:$0x3F8F]  }
0x2a: {  	p0 =	seq.s32 s5, $0x0;
	s5 =	sld [smem:$0x3F90]  }
0x2b: {  	s6 =	sld [smem:$0x3F91]  }
0x2c: {  	s7 =	sld [smem:$0x3F92]  }
0x2d: {  	s3 =	simm.s32 $0x108;
	s8 =	sld [smem:$0x3F93]  }
0x2e: {  	s3 =	simm.s32 @!p0 $0x1082;
	s9 =	sld [smem:$0x3F94]  }
0x2f: {  	lr =	sadd.s32 s0, s3;
	s0 =	sld [smem:$0x3F8B]  }
0x30: {  	s3 =	sld [smem:$0x3F8E]  }
0x31: {  	[smem:$0x3F97] =	sst s10  }
0x32: {  	s10 =	sld [smem:$0x3F95];
	_ =	sdelay $0x3  }
0x33: {  	p0 =	seq.s32 s10, $0x1;
	s10 =	sld [smem:$0x3F97];
	_ =	sdelay $0x3  }
0x34: {  	[smem:$0x3F97] =	sst s10  }
0x35: {  	s10 =	sld [smem:$0x3F96];
	_ =	sdelay $0x3  }
0x36: {  	p1 =	seq.s32 s10, $0x1;
	s10 =	sld [smem:$0x3F97];
	_ =	sdelay $0x3  }
0x37: {  	[smem:$0x3F97] =	sst s10  }
0x38: {  	s10 =	sld [smem:$0x3F98]  }
0x39: {  	_ = 	snop;
	(pc) =	sbr.ind lr, $3  }
0x3a: {  	_ = 	snop  }
0x3b: {  	_ = 	snop  }
0x3c: {  	p2 =	seq.s32 s10, $0x1;
	s10 =	sld [smem:$0x3F97]  }
0x3d: {  	_ =	shalt  }
0x3e: {  	_ =	shalt  }
0x3f: {  	_ =	shalt  }
0x40: {  	_ =	shalt  }
0x41: {  	_ =	shalt  }
0x42: {  	_ =	shalt  }
0x43: {  	_ =	shalt  }
0x44: {  	_ =	shalt  }
0x45: {  	_ =	shalt  }
0x46: {  	_ =	shalt  }
0x47: {  	_ =	shalt  }
0x48: {  	_ =	shalt  }
0x49: {  	_ =	shalt  }
0x4a: {  	_ =	shalt  }
0x4b: {  	_ =	shalt  }
0x4c: {  	_ =	shalt  }
0x4d: {  	_ =	shalt  }
0x4e: {  	_ =	shalt  }
0x4f: {  	_ =	shalt  }
0x50: {  	_ =	shalt  }
0x51: {  	_ =	shalt  }
0x52: {  	_ =	shalt  }
0x53: {  	_ =	shalt  }
0x54: {  	_ =	shalt  }
0x55: {  	_ =	shalt  }
0x56: {  	_ =	shalt  }
0x57: {  	_ =	shalt  }
0x58: {  	_ =	shalt  }
0x59: {  	_ =	shalt  }
0x5a: {  	_ =	shalt  }
0x5b: {  	_ =	shalt  }
0x5c: {  	_ =	shalt  }
0x5d: {  	_ =	shalt  }
0x5e: {  	_ =	shalt  }
0x5f: {  	_ =	shalt  }
0x60: {  	_ =	shalt  }
0x61: {  	_ =	shalt  }
0x62: {  	_ =	shalt  }
0x63: {  	_ =	shalt  }
0x64: {  	_ =	shalt  }
0x65: {  	_ =	shalt  }
0x66: {  	_ =	shalt  }
0x67: {  	_ =	shalt  }
0x68: {  	_ =	shalt  }
0x69: {  	_ =	shalt  }
0x6a: {  	_ =	shalt  }
0x6b: {  	_ =	shalt  }
0x6c: {  	_ =	shalt  }
0x6d: {  	_ =	shalt  }
0x6e: {  	_ =	shalt  }
0x6f: {  	_ =	shalt  }
0x70: {  	_ =	shalt  }
0x71: {  	_ =	shalt  }
0x72: {  	_ =	shalt  }
0x73: {  	_ =	shalt  }
0x74: {  	_ =	shalt  }
0x75: {  	_ =	shalt  }
0x76: {  	_ =	shalt  }
0x77: {  	_ =	shalt  }
0x78: {  	_ =	shalt  }
0x79: {  	_ =	shalt  }
0x7a: {  	_ =	shalt  }
0x7b: {  	_ =	shalt  }
0x7c: {  	_ =	shalt  }
0x7d: {  	_ =	shalt  }
0x7e: {  	_ =	shalt  }
0x7f: {  	_ =	shalt  }
0x80: {  	_ =	shalt  }
0x81: {  	_ =	shalt  }
0x82: {  	_ =	shalt  }
0x83: {  	_ =	shalt  }
0x84: {  	_ =	shalt  }
0x85: {  	_ =	shalt  }
0x86: {  	_ =	shalt  }
0x87: {  	_ =	shalt  }
.Lfunc_end0:
.L_simem_size_0:
called_computation.1_lowered:
.L_overlay_start_0:
0x88: {  	s2 =	sld [smem:$0x3FD9]  }
0x89: {  	s3 =	sld [smem:$0x3FFE];
	_ =	sdelay $0x1  }
0x8a: {  	s1 =	srdreg.scid  }
0x8b: {  	s0 =	sand.u32 $0x1, s1  }
0x8c: {  	s14 =	sshll.u32 s0, $0xA;
	s2 =	sadd.s32 s3, s2  }
0x8d: {  	s2 =	sadd.s32 s2, s14  }
0x8e: {  	[smem:$0x3FA3] =	sst s2  }
0x8f: {  	_ = 	snop  }
0x90: {  	s2 =	sld [smem:$0x3FD0];
	_ =	sdelay $0x2  }
0x91: {  	s15 =	simm.s32 $0xA;
	s4 =	simm.s32 $0x10  }
0x92: {  	[smem:s4], [sflag:s15] =	dma.local [hbm:s2], $0x1  }
0x93: {  	_ =	swait.eq [sflag:s15], $0x1  }
0x94: {  	[sflag:s15] =	ssyncset.done $0x0  }
0x95: {  	[sflag:s15] =	ssyncadd.s32 $0xFFFFFFFF  }
0x96: {  	s16 =	sld [smem:$0x10];
	(tm) =	ssettm $0x1  }
0x97: {  	s17 =	sld [smem:$0x3FFB];
	_ =	sdelay $0x3  }
0x98: {  	_ =	strace s17  }
0x99: {  	s3 =	sld [smem:$0x3FFC];
	_ =	sdelay $0x3  }
0x9a: {  	_ =	strace s3  }
0x9b: {  	s3 =	sld [smem:$0x3FFD];
	_ =	sdelay $0x3  }
0x9c: {  	_ =	strace s3  }
0x9d: {  	_ =	strace $0x8FFFFFFF  }
0x9e: {  	s18 =	sld [smem:$0x3FDB];
	_ =	sdelay $0x1  }
0x9f: {  	s19 =	simm.s32 $_scs_section_size  }
0xa0: {  	s5 =	simm.s32 $_size__tile_overlayer_lowered;
	s6 =	simm.s32 $_tile_overlayer_lowered  }
0xa1: {  	s22 =	simm.s32 $0x1BFF;
	s21 =	sshll.u32 s6, $0x1;
	s3 =	sadd.s32 s19, s18  }
0xa2: {  	s7 =	simm.s32 $0x0;
	s20 =	sshll.u32 s5, $0x1;
	s5 =	sadd.s32 s21, s3  }
0xa3: {  	[timem:s7], [sflag:s22] =	dma.local [hbm:s5], s20  }
0xa4: {  	_ =	swait.ge [sflag:s22], s20  }
0xa5: {  	s4 =	ssub.s32 $0x0, s20;
	[sflag:s22] =	ssyncset.done $0x0  }
0xa6: {  	[sflag:s22] =	ssyncadd.s32 s4;
	_ =	sdelay $0x1  }
0xa7: {  	s23 =	simm.s32 $0x1B8B  }
0xa8: {  	_ =	swait.ge [sflag:s23], $0x1  }
0xa9: {  	[sflag:s23] =	ssyncset.done $0x0  }
0xaa: {  	s25 =	simm.s32 $0x1B8E;
	s24 =	sld [smem:$0x3FFE];
	[sflag:s23] =	ssyncadd.s32 $0xFFFFFFFF  }
0xab: {  	s26 =	simm.s32 $execute0_lowered;
	[smem:$0x3FD2] =	sst s25  }
0xac: {  	s5 =	sshll.u32 s26, $0x1;
	_ =	strace $0x80000049;
	[dreg:$0x1] =	wrdreg $0xFFFFFFFF  }
0xad: {  	s28 =	simm.s32 $_size_execute0_lowered;
	s3 =	sadd.s32 s3, s5;
	[dreg:$0x0] =	wrdreg $0x0  }
0xae: {  	s5 =	sshll.u32 s28, $0x1;
	[dreg:$0x2] =	wrdreg s3  }
0xaf: {  	[dreg:$0x3] =	wrdreg s5  }
0xb0: {  	[dreg:$0x4] =	wrdreg $0xC0  }
0xb1: {  	_ =	task [dreg:s7], $0x5FFFF  }
0xb2: {  	[dreg:$0x1] =	wrdreg $0xFFFFFFFF  }
0xb3: {  	[dreg:$0x0] =	wrdreg $0x60  }
0xb4: {  	[dreg:$0x2] =	wrdreg s24  }
0xb5: {  	[dreg:$0x3] =	wrdreg s16  }
0xb6: {  	[dreg:$0x4] =	wrdreg $0x90000  }
0xb7: {  	[dreg:$0x5] =	wrdreg $0x9  }
0xb8: {  	_ =	task.clear_ibuf [dreg:s7], $0x6FFFF;
	_ =	strace $0x90000049  }
0xb9: {  	s29 =	simm.s32 $0x9;
	_ =	strace $0x8000004B  }
0xba: {  	_ =	swait.ge [sflag:s29], $0x1  }
0xbb: {  	[sflag:s29] =	ssyncadd.s32 $0xFFFFFFFF  }
0xbc: {  	_ =	strace $0x9000004B  }
0xbd: {  	_ =	sfence  }
0xbe: {  	s30 =	sld [smem:$0x0];
	_ =	sdelay $0x2  }
0xbf: {  	s31 =	sshll.u32 s1, $0xD;
	s1 =	sshrl.u32 s1, $0x2  }
0xc0: {  	s3 =	sand.u32 $0x4000, s31;
	s1 =	sadd.s32 s1, s30  }
0xc1: {  	s0 =	sor.u32 s3, s0;
	s1 =	sshll.u32 s1, $0x11  }
0xc2: {  	s0 =	sor.u32 s1, s0  }
0xc3: {  	s0 =	sadd.s32 $0x8F2B, s0  }
0xc4: {  	[sflag:s0] =	ssyncadd.remote.s32 $0x1  }
0xc5: {  	_ =	sfence.sel $0xFFFF  }
0xc6: {  	[dreg:$0x0] =	wrdreg $0xFFFFFFFF;
	(pc) =	sbr.abs _section_cstart, $3  }
0xc7: {  	[dreg:$0x1] =	wrdreg $0xFFFFFFFF  }
0xc8: {  	_ =	task.clear_ibuf [dreg:s7], $0x2FFFF;
	_ =	strace $0x9FFFFFFF  }
0xc9: {  	(tm) =	ssettm $0x7FFFFFFF  }
tec
execute0_lowered:
.L_overlay_start_1:
0x0: {  	(tag) =	ssettag $0x1  }
0x1: {  	s0 =	srdreg.scid;
	s5 =	rddreg [dreg:$0x0]  }
0x2: {  	s7 =	rddreg [dreg:$0x1];
	s6 =	sand.u32 $0x1, s0  }
0x3: {  	s0 =	stileid.u32;
	s9 =	smul.u32 $0x28000, s6  }
0x4: {  	s2 =	rddreg [dreg:$0x2];
	s3 =	simm.s32 $0x0;
	s10 =	smul.u32 $0x50000, s0  }
0x5: {  	[smem:$0x7FF] =	sst s3;
	s1 =	sshll.u32 s6, $0x4;
	s13 =	smul.u32 $0x280, s0  }
0x6: {  	s6 =	ssub.s32 $0x2, s6;
	s16 =	smul.u32 $0x2800, s0;
	s4 =	sor.u32 s0, s1  }
0x7: {  	s1 =	rddreg [dreg:$0x3];
	_ =	strace $0x8000004A;
	s26 =	sshrl.u32 s6, $0x1  }
0x8: {  	s8 =	smul.u32 $0x500, s4;
	s4 =	sadd.s32 $0x11400, s5;
	s9 =	sadd.s32 s9, s5  }
0x9: {  	s10 =	sshrl.u32 s10, $0x2;
	s12 =	ssub.s32 s6, s26;
	s14 =	sadd.s32 $0x80, s13  }
0xa: {  	s17 =	sadd.s32 $0x100, s13;
	s29 =	sadd.s32 $0x180, s13;
	s13 =	sadd.s32 $0x200, s13  }
0xb: {  	s20 =	sadd.s32 $0xB1400, s9;
	s15 =	sshll.u32 s14, $0x7;
	s18 =	sshll.u32 s14, $0x4  }
0xc: {  	s28 =	sshll.u32 s17, $0x7;
	s19 =	sshll.u32 s17, $0x4;
	s30 =	sshll.u32 s29, $0x7  }
0xd: {  	s31 =	sshll.u32 s13, $0x7;
	s21 =	sshll.u32 s29, $0x4;
	s26 =	sshll.u32 s13, $0x4  }
0xe: {  	s13 =	simm.s32 $0x5000;
	s14 =	simm.s32 $0x2;
	s11 =	sadd.s32 s8, s5  }
0xf: {  	s5 =	sadd.s32 s10, s2;
	s6 =	sadd.s32 s7, s8;
	s8 =	smax.u32 s12, $0x1  }
0x10: {  	s22 =	sadd.s32 s15, s2;
	s23 =	sadd.s32 s28, s2;
	s24 =	sadd.s32 s30, s2  }
0x11: {  	s25 =	sadd.s32 s31, s2;
	s15 =	simm.s32 $0x2800;
	s16 =	sadd.s32 s16, s20  }
0x12: {  	s17 =	sadd.s32 s18, s20;
	s18 =	sadd.s32 s19, s20;
	s19 =	sadd.s32 s21, s20  }
0x13: {  	s20 =	sadd.s32 s26, s20;
	s21 =	simm.s32 $0x80;
	s26 =	simm.s32 $0x1  }
0x14: {  	s7 =	sadd.s32 $0x7400, s11;
	s9 =	sadd.s32 $0x4000, s5;
	s10 =	sadd.s32 $0x8000, s5  }
0x15: {  	s11 =	sadd.s32 $0xC000, s5;
	s12 =	sadd.s32 $0x10000, s5;
	s22 =	sshrl.u32 s22, $0x3  }
0x16: {  	v0 =	vimm.f32 $0.0e+00;
	s23 =	sshrl.u32 s23, $0x3;
	s24 =	sshrl.u32 s24, $0x3;
	s25 =	sshrl.u32 s25, $0x3  }
.LBB2_1:
0x17: {  	s28 =	simm.s32 $0x0;
	s29 =	simm.s32 $0x200  }
.LBB2_2:
0x18: {  	p0 =	sne.s32 s29, $0xFE00;
	[tilespmem:s28+$0x5070] =	vst v0  }
0x19: {  	[tilespmem:s28+$0x5000] =	vst v0  }
0x1a: {  	[tilespmem:s28+$0x5010] =	vst v0  }
.Ltmp0:
0x1b: {  	[tilespmem:s28+$0x5020] =	vst v0;
	(pc) =	sbr.rel @p0 .LBB2_2-.Ltmp0, $4  }
0x1c: {  	[tilespmem:s28+$0x5030] =	vst v0  }
0x1d: {  	[tilespmem:s28+$0x5040] =	vst v0  }
0x1e: {  	[tilespmem:s28+$0x5050] =	vst v0  }
0x1f: {  	[tilespmem:s28+$0x5060] =	vst v0;
	s28 =	sshra.s32 s29, $0x2;
	s29 =	sadd.s32 $0x200, s29  }
0x20: {  	[tilespmem:s28+$0x5070] =	vst v0  }
0x21: {  	[tilespmem:s28+$0x5000] =	vst v0  }
0x22: {  	[tilespmem:s28+$0x5010] =	vst v0  }
0x23: {  	[tilespmem:s28+$0x5020] =	vst v0  }
0x24: {  	[tilespmem:s28+$0x5030] =	vst v0  }
0x25: {  	[tilespmem:s28+$0x5040] =	vst v0  }
0x26: {  	[tilespmem:s28+$0x5050] =	vst v0  }
0x27: {  	[tilespmem:s28+$0x5060] =	vst v0  }
0x28: {  	[spmem:s5] =	stream.linear.scatter [tilespmem:s13], [sflag:$0x2], $0x4000, $0x38;
	[tilespmem:$0x1D000] =	vst v63  }
0x29: {  	_ =	swait.ge [sflag:s14], $0x4000  }
0x2a: {  	[sflag:s14] =	ssyncset.done $0x0  }
0x2b: {  	[sflag:s14] =	ssyncadd.s32 $0xFFFFC000  }
0x2c: {  	[spmem:s9] =	stream.linear.scatter [tilespmem:s13], [sflag:$0x2], $0x4000, $0x38;
	[tilespmem:$0x1D000] =	vst v63  }
0x2d: {  	_ =	swait.ge [sflag:s14], $0x4000  }
0x2e: {  	[sflag:s14] =	ssyncset.done $0x0  }
0x2f: {  	[sflag:s14] =	ssyncadd.s32 $0xFFFFC000  }
0x30: {  	[spmem:s10] =	stream.linear.scatter [tilespmem:s13], [sflag:$0x2], $0x4000, $0x38;
	[tilespmem:$0x1D000] =	vst v63  }
0x31: {  	_ =	swait.ge [sflag:s14], $0x4000  }
0x32: {  	[sflag:s14] =	ssyncset.done $0x0  }
0x33: {  	[sflag:s14] =	ssyncadd.s32 $0xFFFFC000  }
0x34: {  	[spmem:s11] =	stream.linear.scatter [tilespmem:s13], [sflag:$0x2], $0x4000, $0x38;
	[tilespmem:$0x1D000] =	vst v63  }
0x35: {  	_ =	swait.ge [sflag:s14], $0x4000  }
0x36: {  	[sflag:s14] =	ssyncset.done $0x0  }
0x37: {  	[sflag:s14] =	ssyncadd.s32 $0xFFFFC000  }
0x38: {  	[spmem:s12] =	stream.linear.scatter [tilespmem:s13], [sflag:$0x2], $0x4000, $0x38;
	[tilespmem:$0x1D000] =	vst v63  }
0x39: {  	_ =	swait.ge [sflag:s14], $0x4000  }
0x3a: {  	[sflag:s14] =	ssyncset.done $0x0  }
0x3b: {  	[sflag:s14] =	ssyncadd.s32 $0xFFFFC000  }
0x3c: {  	s28 =	simm.s32 $0x0;
	[bflag:$0x0] =	sbarrier.arrive $0xFFFF  }
0x3d: {  	[tilespmem:s28], [sflag:$0x2] =	stream.linear.gather [hbm4b:s6+s28], $0x2780, $0x38;
	[tilespmem:$0x1D000] =	vst v63  }
0x3e: {  	_ =	swait.ge [sflag:s14], $0x2780  }
0x3f: {  	[sflag:s14] =	ssyncset.done $0x0  }
0x40: {  	[sflag:s14] =	ssyncadd.s32 $0xFFFFD880  }
0x41: {  	[tilespmem:s15], [sflag:$0x2] =	stream.linear.gather [hbm4b:s7+s28], $0x2780, $0x38;
	[tilespmem:$0x1D000] =	vst v63  }
0x42: {  	_ =	swait.ge [sflag:s14], $0x2780  }
0x43: {  	[sflag:s14] =	ssyncset.done $0x0  }
0x44: {  	s28 =	simm.s32 $0x0;
	[sflag:s14] =	ssyncadd.s32 $0xFFFFD880  }
0x45: {  	[tilespmem:s13], [sflag:$0x1] =	stream.indirect.gather [hbm4b:s4+s21], $0x80, s28, s21, $0xb8;
	[tilespmem:$0x1D000] =	vst v63  }
0x46: {  	_ =	swait.ge [sflag:s26], $0x4000  }
0x47: {  	[sflag:s26] =	ssyncset.done $0x0  }
0x48: {  	s28 =	simm.s32 $0x2800;
	[sflag:s26] =	ssyncadd.s32 $0xFFFFC000  }
0x49: {  	[spmem:s2] =	stream.indirect.scatter.add.f32 [tilespmem:s13], [sflag:$0x2], $0x80, s28, s21, $0xb8;
	[tilespmem:$0x1D000] =	vst v63  }
0x4a: {  	_ =	swait.ge [sflag:s14], $0x4000  }
0x4b: {  	s29 =	simm.s32 $0x400;
	s28 =	simm.s32 $0x200;
	[sflag:s14] =	ssyncset.done $0x0  }
.LBB2_4:
0x4c: {  	s30 =	sshra.s32 s28, $0x2  }
0x4d: {  	[sflag:s14] =	ssyncadd.s32 $0xFFFFC000;
	s28 =	smov.u32 s29;
	s31 =	sadd.s32 $0x200, s29  }
0x4e: {  	[tilespmem:s13], [sflag:$0x1] =	stream.indirect.gather [hbm4b:s4+s21], $0x80, s30, s21, $0xb8;
	[tilespmem:$0x1D000] =	vst v63  }
0x4f: {  	p0 =	sne.s32 s29, $0x9C00;
	_ =	swait.ge [sflag:s26], $0x4000  }
.Ltmp1:
0x50: {  	[sflag:s26] =	ssyncset.done $0x0;
	(pc) =	sbr.rel @p0 .LBB2_4-.Ltmp1, $4  }
0x51: {  	s29 =	sadd.s32 $0x2800, s30;
	[sflag:s26] =	ssyncadd.s32 $0xFFFFC000  }
0x52: {  	[spmem:s2] =	stream.indirect.scatter.add.f32 [tilespmem:s13], [sflag:$0x2], $0x80, s29, s21, $0xb8;
	[tilespmem:$0x1D000] =	vst v63  }
0x53: {  	_ =	swait.ge [sflag:s14], $0x4000  }
0x54: {  	s29 =	smov.u32 s31;
	[sflag:s14] =	ssyncset.done $0x0  }
0x55: {  	s28 =	sshra.s32 s28, $0x2;
	[sflag:s14] =	ssyncadd.s32 $0xFFFFC000  }
0x56: {  	[tilespmem:s13], [sflag:$0x1] =	stream.indirect.gather [hbm4b:s4+s21], $0x80, s28, s21, $0xb8;
	[tilespmem:$0x1D000] =	vst v63  }
0x57: {  	_ =	swait.ge [sflag:s26], $0x4000  }
0x58: {  	[sflag:s26] =	ssyncset.done $0x0  }
0x59: {  	s28 =	sadd.s32 $0x2800, s28;
	[sflag:s26] =	ssyncadd.s32 $0xFFFFC000  }
0x5a: {  	[spmem:s2] =	stream.indirect.scatter.add.f32 [tilespmem:s13], [sflag:$0x2], $0x80, s28, s21, $0xb8;
	[tilespmem:$0x1D000] =	vst v63  }
0x5b: {  	_ =	swait.ge [sflag:s14], $0x4000  }
0x5c: {  	[sflag:s14] =	ssyncset.done $0x0  }
0x5d: {  	s31 =	sshll.u32 s0, $0x6;
	[sflag:s14] =	ssyncadd.s32 $0xFFFFC000  }
0x5e: {  	s29 =	sshrl.u32 s5, $0x3;
	s28 =	sor.u32 $0x1C02, s31;
	[bflag:$0x0] =	sbarrier.arrive $0xFFFF  }
0x5f: {  	[hbm:s16], [sflag:s28] =	dma.local [spmem:s29], $0x800  }
0x60: {  	_ =	swait.ge [sflag:s14], $0x800  }
0x61: {  	[sflag:s14] =	ssyncset.done $0x0  }
0x62: {  	[sflag:s14] =	ssyncadd.s32 $0xFFFFF800  }
0x63: {  	[hbm:s17], [sflag:s28] =	dma.local [spmem:s22], $0x800  }
0x64: {  	_ =	swait.ge [sflag:s14], $0x800  }
0x65: {  	[sflag:s14] =	ssyncset.done $0x0  }
0x66: {  	[sflag:s14] =	ssyncadd.s32 $0xFFFFF800  }
0x67: {  	[hbm:s18], [sflag:s28] =	dma.local [spmem:s23], $0x800  }
0x68: {  	_ =	swait.ge [sflag:s14], $0x800  }
0x69: {  	[sflag:s14] =	ssyncset.done $0x0  }
0x6a: {  	[sflag:s14] =	ssyncadd.s32 $0xFFFFF800  }
0x6b: {  	[hbm:s19], [sflag:s28] =	dma.local [spmem:s24], $0x800  }
0x6c: {  	s3 =	sadd.s32 $0x1, s3;
	_ =	swait.ge [sflag:s14], $0x800  }
0x6d: {  	p0 =	sne.s32 s3, s8;
	[sflag:s14] =	ssyncset.done $0x0  }
.Ltmp2:
0x6e: {  	[sflag:s14] =	ssyncadd.s32 $0xFFFFF800;
	(pc) =	sbr.rel @p0 .LBB2_1-.Ltmp2, $4  }
0x6f: {  	[hbm:s20], [sflag:s28] =	dma.local [spmem:s25], $0x800  }
0x70: {  	_ =	swait.ge [sflag:s14], $0x800  }
0x71: {  	[sflag:s14] =	ssyncset.done $0x0  }
0x72: {  	[sflag:s14] =	ssyncadd.s32 $0xFFFFF800  }
0x73: {  	_ =	sfence.sel $0x180000  }
0x74: {  	[bflag:$0x0] =	sbarrier.arrive $0xFFFF  }
0x75: {  	p0 =	sne.s32 s0, $0x0;
	_ =	strace $0x9000004A  }
0x76: {  	s0 =	sadd.s32 @!p0 $0x100000, s1;
	[bflag:$0x2] =	sbarrier.arrive $0xFFFF  }
0x77: {  	[sflag:s0] =	ssyncadd.tile.s32 @!p0 $0x1;
	_ =	shalt  }
.Lfunc_end2:
_tile_overlayer_lowered:
.L_overlay_start_2:
0x78: {  	(tag) =	ssettag $0x2  }
0x79: {  	s0 =	rddreg [dreg:$0x0];
	s2 =	stileid.u32  }
0x7a: {  	s1 =	rddreg [dreg:$0x1];
	p0 =	sne.s32 s2, $0x0  }
0x7b: {  	s3 =	rddreg [dreg:$0x2];
	[bflag:$0x3] =	sbarrier.arrive $0xFFFF;
	s2 =	simm.s32 @!p0 $0x1C02  }
0x7c: {  	[timem:s3], [sflag:s2] =	dma.local @!p0 [hbm:s0], s1  }
0x7d: {  	s0 =	simm.s32 @!p0 $0x2  }
0x7e: {  	_ =	swait.ge @!p0 [sflag:s0], s1  }
0x7f: {  	s1 =	ssub.s32 @!p0 $0x0, s1;
	[sflag:s0] =	ssyncset.done @!p0 $0x0  }
0x80: {  	[sflag:s0] =	ssyncadd.s32 @!p0 s1  }
0x81: {  	[bflag:$0x3] =	sbarrier.arrive $0xFFFF  }
0x82: {  	_ =	shalt  }

// kernel: kernel.17.cloned.1.call-start
scs
__scs_entry_jumppad:
0x0: {  	(pc) =	sbr.rel $0x88, $3  }
0x1: {  	(tag) =	ssettag $0x0;
	lr =	simm.s32 $0x1  }
0x2: {  	[smem:$0x3F7C] =	sst lr;
	_ =	strace $0xD0000000  }
0x3: {  	_ = 	snop  }
0x4: {  	_ = 	snop  }
0x5: {  	_ = 	snop  }
0x6: {  	_ = 	snop  }
0x7: {  	_ = 	snop  }
__scs_overlays_trampoline_lowered:
0x8: {  	[smem:$0x3F8B] =	sst s0  }
0x9: {  	[smem:$0x3F8C] =	sst s1  }
0xa: {  	[smem:$0x3F8D] =	sst s2  }
0xb: {  	[smem:$0x3F8E] =	sst s3  }
0xc: {  	[smem:$0x3F8F] =	sst s4  }
0xd: {  	[smem:$0x3F90] =	sst s5  }
0xe: {  	[smem:$0x3F91] =	sst s6  }
0xf: {  	[smem:$0x3F92] =	sst s7  }
0x10: {  	[smem:$0x3F93] =	sst s8  }
0x11: {  	[smem:$0x3F94] =	sst s9;
	s0 =	simm.s32 @!p0 $0x0  }
0x12: {  	s1 =	sld [smem:$0x3F7A];
	s0 =	simm.s32 @p0 $0x1  }
0x13: {  	[smem:$0x3F95] =	sst s0;
	s0 =	simm.s32 @!p1 $0x0  }
0x14: {  	s2 =	sld [smem:$0x3F79];
	s0 =	simm.s32 @p1 $0x1  }
0x15: {  	[smem:$0x3F96] =	sst s0;
	s0 =	simm.s32 @!p2 $0x0  }
0x16: {  	s3 =	sld [smem:$0x3FDB];
	s0 =	simm.s32 @p2 $0x1  }
0x17: {  	s4 =	simm.s32 $0x1BF5;
	[smem:$0x3F98] =	sst s0  }
0x18: {  	s0 =	sld [smem:$0x3F7B];
	_ =	swait.ge [sflag:s4], $0x0  }
0x19: {  	s7 =	sld [smem:$0x3F7C]  }
0x1a: {  	s8 =	sadd.s32 $0xFFFFE003, lr  }
0x1b: {  	s9 =	sadd.s32 $0xFFFFFEF7, lr;
	s5 =	simm.s32 $0xFFFFFFFF;
	p2 =	slt.u32 s8, $0xFFFFF086  }
0x1c: {  	p1 =	slt.u32 s9, $0xF7A;
	s5 =	simm.s32 @!p2 $0x0  }
0x1d: {  	s5 =	simm.s32 @p1 $0x1;
	p0 =	seq.s32 s7, s2  }
0x1e: {  	s7 =	smul.u32 @!p0 $0xF7A, s2;
	p2 =	seq.s32 @!p0 s5, $0x0  }
0x1f: {  	s9 =	smul.u32 $0xF7A, s1;
	s8 =	simm.s32 @!p0 $0x1BF5;
	p2 =	por !p2, p0  }
0x20: {  	[sflag:s8] =	ssyncset.s32 @!p0 $0xFFFFF086;
	s6 =	sadd.s32 @!p0 s3, s7;
	s7 =	simm.s32 @!p0 $0x108  }
0x21: {  	s3 =	sadd.s32 s3, s9;
	s6 =	sadd.s32 @!p0 $0x88, s6;
	s7 =	simm.s32 @p2 $0x1082  }
0x22: {  	[simem:s7], [sflag:s8] =	dma.local @!p0 [hbm:s6], $0xF7A  }
0x23: {  	s9 =	sor.u32 $0xD0000000, s2;
	s6 =	simm.s32 $0x108;
	_ =	swait.ge @!p0 [sflag:s8], $0x0  }
0x24: {  	s3 =	sadd.s32 $0x88, s3;
	s6 =	simm.s32 @!p1 $0x1082;
	[sflag:s4] =	ssyncset.s32 $0xFFFFF086  }
0x25: {  	[simem:s6], [sflag:s4] =	dma.local [hbm:s3], $0xF7A  }
0x26: {  	[smem:$0x3F7C] =	sst s1;
	(tag) =	ssettag s2;
	_ =	strace s9  }
0x27: {  	s1 =	sld [smem:$0x3F8C]  }
0x28: {  	s2 =	sld [smem:$0x3F8D]  }
0x29: {  	s4 =	sld [smem:$0x3F8F]  }
0x2a: {  	p0 =	seq.s32 s5, $0x0;
	s5 =	sld [smem:$0x3F90]  }
0x2b: {  	s6 =	sld [smem:$0x3F91]  }
0x2c: {  	s7 =	sld [smem:$0x3F92]  }
0x2d: {  	s3 =	simm.s32 $0x108;
	s8 =	sld [smem:$0x3F93]  }
0x2e: {  	s3 =	simm.s32 @!p0 $0x1082;
	s9 =	sld [smem:$0x3F94]  }
0x2f: {  	lr =	sadd.s32 s0, s3;
	s0 =	sld [smem:$0x3F8B]  }
0x30: {  	s3 =	sld [smem:$0x3F8E]  }
0x31: {  	[smem:$0x3F97] =	sst s10  }
0x32: {  	s10 =	sld [smem:$0x3F95];
	_ =	sdelay $0x3  }
0x33: {  	p0 =	seq.s32 s10, $0x1;
	s10 =	sld [smem:$0x3F97];
	_ =	sdelay $0x3  }
0x34: {  	[smem:$0x3F97] =	sst s10  }
0x35: {  	s10 =	sld [smem:$0x3F96];
	_ =	sdelay $0x3  }
0x36: {  	p1 =	seq.s32 s10, $0x1;
	s10 =	sld [smem:$0x3F97];
	_ =	sdelay $0x3  }
0x37: {  	[smem:$0x3F97] =	sst s10  }
0x38: {  	s10 =	sld [smem:$0x3F98]  }
0x39: {  	_ = 	snop;
	(pc) =	sbr.ind lr, $3  }
0x3a: {  	_ = 	snop  }
0x3b: {  	_ = 	snop  }
0x3c: {  	p2 =	seq.s32 s10, $0x1;
	s10 =	sld [smem:$0x3F97]  }
0x3d: {  	_ =	shalt  }
0x3e: {  	_ =	shalt  }
0x3f: {  	_ =	shalt  }
0x40: {  	_ =	shalt  }
0x41: {  	_ =	shalt  }
0x42: {  	_ =	shalt  }
0x43: {  	_ =	shalt  }
0x44: {  	_ =	shalt  }
0x45: {  	_ =	shalt  }
0x46: {  	_ =	shalt  }
0x47: {  	_ =	shalt  }
0x48: {  	_ =	shalt  }
0x49: {  	_ =	shalt  }
0x4a: {  	_ =	shalt  }
0x4b: {  	_ =	shalt  }
0x4c: {  	_ =	shalt  }
0x4d: {  	_ =	shalt  }
0x4e: {  	_ =	shalt  }
0x4f: {  	_ =	shalt  }
0x50: {  	_ =	shalt  }
0x51: {  	_ =	shalt  }
0x52: {  	_ =	shalt  }
0x53: {  	_ =	shalt  }
0x54: {  	_ =	shalt  }
0x55: {  	_ =	shalt  }
0x56: {  	_ =	shalt  }
0x57: {  	_ =	shalt  }
0x58: {  	_ =	shalt  }
0x59: {  	_ =	shalt  }
0x5a: {  	_ =	shalt  }
0x5b: {  	_ =	shalt  }
0x5c: {  	_ =	shalt  }
0x5d: {  	_ =	shalt  }
0x5e: {  	_ =	shalt  }
0x5f: {  	_ =	shalt  }
0x60: {  	_ =	shalt  }
0x61: {  	_ =	shalt  }
0x62: {  	_ =	shalt  }
0x63: {  	_ =	shalt  }
0x64: {  	_ =	shalt  }
0x65: {  	_ =	shalt  }
0x66: {  	_ =	shalt  }
0x67: {  	_ =	shalt  }
0x68: {  	_ =	shalt  }
0x69: {  	_ =	shalt  }
0x6a: {  	_ =	shalt  }
0x6b: {  	_ =	shalt  }
0x6c: {  	_ =	shalt  }
0x6d: {  	_ =	shalt  }
0x6e: {  	_ =	shalt  }
0x6f: {  	_ =	shalt  }
0x70: {  	_ =	shalt  }
0x71: {  	_ =	shalt  }
0x72: {  	_ =	shalt  }
0x73: {  	_ =	shalt  }
0x74: {  	_ =	shalt  }
0x75: {  	_ =	shalt  }
0x76: {  	_ =	shalt  }
0x77: {  	_ =	shalt  }
0x78: {  	_ =	shalt  }
0x79: {  	_ =	shalt  }
0x7a: {  	_ =	shalt  }
0x7b: {  	_ =	shalt  }
0x7c: {  	_ =	shalt  }
0x7d: {  	_ =	shalt  }
0x7e: {  	_ =	shalt  }
0x7f: {  	_ =	shalt  }
0x80: {  	_ =	shalt  }
0x81: {  	_ =	shalt  }
0x82: {  	_ =	shalt  }
0x83: {  	_ =	shalt  }
0x84: {  	_ =	shalt  }
0x85: {  	_ =	shalt  }
0x86: {  	_ =	shalt  }
0x87: {  	_ =	shalt  }
.Lfunc_end0:
.L_simem_size_0:
called_computation.2_lowered:
.L_overlay_start_0:
0x88: {  	s2 =	sld [smem:$0x3FD9]  }
0x89: {  	s3 =	sld [smem:$0x3FFE];
	_ =	sdelay $0x1  }
0x8a: {  	s1 =	srdreg.scid  }
0x8b: {  	s0 =	sand.u32 $0x1, s1  }
0x8c: {  	s14 =	sshll.u32 s0, $0xA;
	s2 =	sadd.s32 s3, s2  }
0x8d: {  	s2 =	sadd.s32 s2, s14  }
0x8e: {  	[smem:$0x3FA3] =	sst s2  }
0x8f: {  	_ = 	snop  }
0x90: {  	s2 =	sld [smem:$0x3FD0];
	_ =	sdelay $0x2  }
0x91: {  	s15 =	simm.s32 $0xA;
	s4 =	simm.s32 $0x10  }
0x92: {  	[smem:s4], [sflag:s15] =	dma.local [hbm:s2], $0x1  }
0x93: {  	_ =	swait.eq [sflag:s15], $0x1  }
0x94: {  	[sflag:s15] =	ssyncset.done $0x0  }
0x95: {  	[sflag:s15] =	ssyncadd.s32 $0xFFFFFFFF  }
0x96: {  	s16 =	sld [smem:$0x10];
	(tm) =	ssettm $0x1  }
0x97: {  	s17 =	sld [smem:$0x3FFB];
	_ =	sdelay $0x3  }
0x98: {  	_ =	strace s17  }
0x99: {  	s3 =	sld [smem:$0x3FFC];
	_ =	sdelay $0x3  }
0x9a: {  	_ =	strace s3  }
0x9b: {  	s3 =	sld [smem:$0x3FFD];
	_ =	sdelay $0x3  }
0x9c: {  	_ =	strace s3  }
0x9d: {  	_ =	strace $0x8FFFFFFF  }
0x9e: {  	s18 =	sld [smem:$0x3FDB];
	_ =	sdelay $0x1  }
0x9f: {  	s19 =	simm.s32 $_scs_section_size  }
0xa0: {  	s5 =	simm.s32 $_size__tile_overlayer_lowered;
	s6 =	simm.s32 $_tile_overlayer_lowered  }
0xa1: {  	s22 =	simm.s32 $0x1BFF;
	s21 =	sshll.u32 s6, $0x1;
	s3 =	sadd.s32 s19, s18  }
0xa2: {  	s7 =	simm.s32 $0x0;
	s20 =	sshll.u32 s5, $0x1;
	s5 =	sadd.s32 s21, s3  }
0xa3: {  	[timem:s7], [sflag:s22] =	dma.local [hbm:s5], s20  }
0xa4: {  	_ =	swait.ge [sflag:s22], s20  }
0xa5: {  	s4 =	ssub.s32 $0x0, s20;
	[sflag:s22] =	ssyncset.done $0x0  }
0xa6: {  	[sflag:s22] =	ssyncadd.s32 s4;
	_ =	sdelay $0x1  }
0xa7: {  	s23 =	simm.s32 $0x1B8B  }
0xa8: {  	_ =	swait.ge [sflag:s23], $0x1  }
0xa9: {  	[sflag:s23] =	ssyncset.done $0x0  }
0xaa: {  	s25 =	simm.s32 $0x1B8E;
	s24 =	sld [smem:$0x3FFE];
	[sflag:s23] =	ssyncadd.s32 $0xFFFFFFFF  }
0xab: {  	s26 =	simm.s32 $execute0_lowered;
	[smem:$0x3FD2] =	sst s25  }
0xac: {  	s5 =	sshll.u32 s26, $0x1;
	_ =	strace $0x8000004C;
	[dreg:$0x1] =	wrdreg $0xFFFFFFFF  }
0xad: {  	s28 =	simm.s32 $_size_execute0_lowered;
	s3 =	sadd.s32 s3, s5;
	[dreg:$0x0] =	wrdreg $0x0  }
0xae: {  	s5 =	sshll.u32 s28, $0x1;
	[dreg:$0x2] =	wrdreg s3  }
0xaf: {  	[dreg:$0x3] =	wrdreg s5  }
0xb0: {  	[dreg:$0x4] =	wrdreg $0xC0  }
0xb1: {  	_ =	task [dreg:s7], $0x5FFFF  }
0xb2: {  	[dreg:$0x1] =	wrdreg $0xFFFFFFFF  }
0xb3: {  	[dreg:$0x0] =	wrdreg $0x60  }
0xb4: {  	[dreg:$0x2] =	wrdreg s24  }
0xb5: {  	[dreg:$0x3] =	wrdreg s16  }
0xb6: {  	[dreg:$0x4] =	wrdreg $0x90000  }
0xb7: {  	[dreg:$0x5] =	wrdreg $0x9  }
0xb8: {  	_ =	task.clear_ibuf [dreg:s7], $0x6FFFF;
	_ =	strace $0x9000004C  }
0xb9: {  	s29 =	simm.s32 $0x9;
	_ =	strace $0x8000004E  }
0xba: {  	_ =	swait.ge [sflag:s29], $0x1  }
0xbb: {  	[sflag:s29] =	ssyncadd.s32 $0xFFFFFFFF  }
0xbc: {  	_ =	strace $0x9000004E  }
0xbd: {  	_ =	sfence  }
0xbe: {  	s30 =	sld [smem:$0x0];
	_ =	sdelay $0x2  }
0xbf: {  	s31 =	sshll.u32 s1, $0xD;
	s1 =	sshrl.u32 s1, $0x2  }
0xc0: {  	s3 =	sand.u32 $0x4000, s31;
	s1 =	sadd.s32 s1, s30  }
0xc1: {  	s0 =	sor.u32 s3, s0;
	s1 =	sshll.u32 s1, $0x11  }
0xc2: {  	s0 =	sor.u32 s1, s0  }
0xc3: {  	s0 =	sadd.s32 $0x8F2B, s0  }
0xc4: {  	[sflag:s0] =	ssyncadd.remote.s32 $0x1  }
0xc5: {  	_ =	sfence.sel $0xFFFF  }
0xc6: {  	[dreg:$0x0] =	wrdreg $0xFFFFFFFF;
	(pc) =	sbr.abs _section_cstart, $3  }
0xc7: {  	[dreg:$0x1] =	wrdreg $0xFFFFFFFF  }
0xc8: {  	_ =	task.clear_ibuf [dreg:s7], $0x2FFFF;
	_ =	strace $0x9FFFFFFF  }
0xc9: {  	(tm) =	ssettm $0x7FFFFFFF  }
tec
execute0_lowered:
.L_overlay_start_1:
0x0: {  	(tag) =	ssettag $0x1  }
0x1: {  	s0 =	srdreg.scid;
	s5 =	rddreg [dreg:$0x0]  }
0x2: {  	s7 =	rddreg [dreg:$0x1];
	s6 =	sand.u32 $0x1, s0  }
0x3: {  	s0 =	stileid.u32;
	s9 =	smul.u32 $0x28000, s6  }
0x4: {  	s2 =	rddreg [dreg:$0x2];
	s3 =	simm.s32 $0x0;
	s10 =	smul.u32 $0x50000, s0  }
0x5: {  	[smem:$0x7FF] =	sst s3;
	s1 =	sshll.u32 s6, $0x4;
	s13 =	smul.u32 $0x280, s0  }
0x6: {  	s6 =	ssub.s32 $0x2, s6;
	s16 =	smul.u32 $0x2800, s0;
	s4 =	sor.u32 s0, s1  }
0x7: {  	s1 =	rddreg [dreg:$0x3];
	_ =	strace $0x8000004D;
	s26 =	sshrl.u32 s6, $0x1  }
0x8: {  	s8 =	smul.u32 $0x500, s4;
	s4 =	sadd.s32 $0x11400, s5;
	s9 =	sadd.s32 s9, s5  }
0x9: {  	s10 =	sshrl.u32 s10, $0x2;
	s12 =	ssub.s32 s6, s26;
	s14 =	sadd.s32 $0x80, s13  }
0xa: {  	s17 =	sadd.s32 $0x100, s13;
	s29 =	sadd.s32 $0x180, s13;
	s13 =	sadd.s32 $0x200, s13  }
0xb: {  	s20 =	sadd.s32 $0xB1400, s9;
	s15 =	sshll.u32 s14, $0x7;
	s18 =	sshll.u32 s14, $0x4  }
0xc: {  	s28 =	sshll.u32 s17, $0x7;
	s19 =	sshll.u32 s17, $0x4;
	s30 =	sshll.u32 s29, $0x7  }
0xd: {  	s31 =	sshll.u32 s13, $0x7;
	s21 =	sshll.u32 s29, $0x4;
	s26 =	sshll.u32 s13, $0x4  }
0xe: {  	s13 =	simm.s32 $0x5000;
	s14 =	simm.s32 $0x2;
	s11 =	sadd.s32 s8, s5  }
0xf: {  	s5 =	sadd.s32 s10, s2;
	s6 =	sadd.s32 s7, s8;
	s8 =	smax.u32 s12, $0x1  }
0x10: {  	s22 =	sadd.s32 s15, s2;
	s23 =	sadd.s32 s28, s2;
	s24 =	sadd.s32 s30, s2  }
0x11: {  	s25 =	sadd.s32 s31, s2;
	s15 =	simm.s32 $0x2800;
	s16 =	sadd.s32 s16, s20  }
0x12: {  	s17 =	sadd.s32 s18, s20;
	s18 =	sadd.s32 s19, s20;
	s19 =	sadd.s32 s21, s20  }
0x13: {  	s20 =	sadd.s32 s26, s20;
	s21 =	simm.s32 $0x80;
	s26 =	simm.s32 $0x1  }
0x14: {  	s7 =	sadd.s32 $0x7400, s11;
	s9 =	sadd.s32 $0x4000, s5;
	s10 =	sadd.s32 $0x8000, s5  }
0x15: {  	s11 =	sadd.s32 $0xC000, s5;
	s12 =	sadd.s32 $0x10000, s5;
	s22 =	sshrl.u32 s22, $0x3  }
0x16: {  	v0 =	vimm.f32 $0.0e+00;
	s23 =	sshrl.u32 s23, $0x3;
	s24 =	sshrl.u32 s24, $0x3;
	s25 =	sshrl.u32 s25, $0x3  }
.LBB2_1:
0x17: {  	s28 =	simm.s32 $0x0;
	s29 =	simm.s32 $0x200  }
.LBB2_2:
0x18: {  	p0 =	sne.s32 s29, $0xFE00;
	[tilespmem:s28+$0x5070] =	vst v0  }
0x19: {  	[tilespmem:s28+$0x5000] =	vst v0  }
0x1a: {  	[tilespmem:s28+$0x5010] =	vst v0  }
.Ltmp0:
0x1b: {  	[tilespmem:s28+$0x5020] =	vst v0;
	(pc) =	sbr.rel @p0 .LBB2_2-.Ltmp0, $4  }
0x1c: {  	[tilespmem:s28+$0x5030] =	vst v0  }
0x1d: {  	[tilespmem:s28+$0x5040] =	vst v0  }
0x1e: {  	[tilespmem:s28+$0x5050] =	vst v0  }
0x1f: {  	[tilespmem:s28+$0x5060] =	vst v0;
	s28 =	sshra.s32 s29, $0x2;
	s29 =	sadd.s32 $0x200, s29  }
0x20: {  	[tilespmem:s28+$0x5070] =	vst v0  }
0x21: {  	[tilespmem:s28+$0x5000] =	vst v0  }
0x22: {  	[tilespmem:s28+$0x5010] =	vst v0  }
0x23: {  	[tilespmem:s28+$0x5020] =	vst v0  }
0x24: {  	[tilespmem:s28+$0x5030] =	vst v0  }
0x25: {  	[tilespmem:s28+$0x5040] =	vst v0  }
0x26: {  	[tilespmem:s28+$0x5050] =	vst v0  }
0x27: {  	[tilespmem:s28+$0x5060] =	vst v0  }
0x28: {  	[spmem:s5] =	stream.linear.scatter [tilespmem:s13], [sflag:$0x2], $0x4000, $0x38;
	[tilespmem:$0x1D000] =	vst v63  }
0x29: {  	_ =	swait.ge [sflag:s14], $0x4000  }
0x2a: {  	[sflag:s14] =	ssyncset.done $0x0  }
0x2b: {  	[sflag:s14] =	ssyncadd.s32 $0xFFFFC000  }
0x2c: {  	[spmem:s9] =	stream.linear.scatter [tilespmem:s13], [sflag:$0x2], $0x4000, $0x38;
	[tilespmem:$0x1D000] =	vst v63  }
0x2d: {  	_ =	swait.ge [sflag:s14], $0x4000  }
0x2e: {  	[sflag:s14] =	ssyncset.done $0x0  }
0x2f: {  	[sflag:s14] =	ssyncadd.s32 $0xFFFFC000  }
0x30: {  	[spmem:s10] =	stream.linear.scatter [tilespmem:s13], [sflag:$0x2], $0x4000, $0x38;
	[tilespmem:$0x1D000] =	vst v63  }
0x31: {  	_ =	swait.ge [sflag:s14], $0x4000  }
0x32: {  	[sflag:s14] =	ssyncset.done $0x0  }
0x33: {  	[sflag:s14] =	ssyncadd.s32 $0xFFFFC000  }
0x34: {  	[spmem:s11] =	stream.linear.scatter [tilespmem:s13], [sflag:$0x2], $0x4000, $0x38;
	[tilespmem:$0x1D000] =	vst v63  }
0x35: {  	_ =	swait.ge [sflag:s14], $0x4000  }
0x36: {  	[sflag:s14] =	ssyncset.done $0x0  }
0x37: {  	[sflag:s14] =	ssyncadd.s32 $0xFFFFC000  }
0x38: {  	[spmem:s12] =	stream.linear.scatter [tilespmem:s13], [sflag:$0x2], $0x4000, $0x38;
	[tilespmem:$0x1D000] =	vst v63  }
0x39: {  	_ =	swait.ge [sflag:s14], $0x4000  }
0x3a: {  	[sflag:s14] =	ssyncset.done $0x0  }
0x3b: {  	[sflag:s14] =	ssyncadd.s32 $0xFFFFC000  }
0x3c: {  	s28 =	simm.s32 $0x0;
	[bflag:$0x0] =	sbarrier.arrive $0xFFFF  }
0x3d: {  	[tilespmem:s28], [sflag:$0x2] =	stream.linear.gather [hbm4b:s6+s28], $0x2780, $0x38;
	[tilespmem:$0x1D000] =	vst v63  }
0x3e: {  	_ =	swait.ge [sflag:s14], $0x2780  }
0x3f: {  	[sflag:s14] =	ssyncset.done $0x0  }
0x40: {  	[sflag:s14] =	ssyncadd.s32 $0xFFFFD880  }
0x41: {  	[tilespmem:s15], [sflag:$0x2] =	stream.linear.gather [hbm4b:s7+s28], $0x2780, $0x38;
	[tilespmem:$0x1D000] =	vst v63  }
0x42: {  	_ =	swait.ge [sflag:s14], $0x2780  }
0x43: {  	[sflag:s14] =	ssyncset.done $0x0  }
0x44: {  	s28 =	simm.s32 $0x0;
	[sflag:s14] =	ssyncadd.s32 $0xFFFFD880  }
0x45: {  	[tilespmem:s13], [sflag:$0x1] =	stream.indirect.gather [hbm4b:s4+s21], $0x80, s28, s21, $0xb8;
	[tilespmem:$0x1D000] =	vst v63  }
0x46: {  	_ =	swait.ge [sflag:s26], $0x4000  }
0x47: {  	[sflag:s26] =	ssyncset.done $0x0  }
0x48: {  	s28 =	simm.s32 $0x2800;
	[sflag:s26] =	ssyncadd.s32 $0xFFFFC000  }
0x49: {  	[spmem:s2] =	stream.indirect.scatter.add.f32 [tilespmem:s13], [sflag:$0x2], $0x80, s28, s21, $0xb8;
	[tilespmem:$0x1D000] =	vst v63  }
0x4a: {  	_ =	swait.ge [sflag:s14], $0x4000  }
0x4b: {  	s29 =	simm.s32 $0x400;
	s28 =	simm.s32 $0x200;
	[sflag:s14] =	ssyncset.done $0x0  }
.LBB2_4:
0x4c: {  	s30 =	sshra.s32 s28, $0x2  }
0x4d: {  	[sflag:s14] =	ssyncadd.s32 $0xFFFFC000;
	s28 =	smov.u32 s29;
	s31 =	sadd.s32 $0x200, s29  }
0x4e: {  	[tilespmem:s13], [sflag:$0x1] =	stream.indirect.gather [hbm4b:s4+s21], $0x80, s30, s21, $0xb8;
	[tilespmem:$0x1D000] =	vst v63  }
0x4f: {  	p0 =	sne.s32 s29, $0x9C00;
	_ =	swait.ge [sflag:s26], $0x4000  }
.Ltmp1:
0x50: {  	[sflag:s26] =	ssyncset.done $0x0;
	(pc) =	sbr.rel @p0 .LBB2_4-.Ltmp1, $4  }
0x51: {  	s29 =	sadd.s32 $0x2800, s30;
	[sflag:s26] =	ssyncadd.s32 $0xFFFFC000  }
0x52: {  	[spmem:s2] =	stream.indirect.scatter.add.f32 [tilespmem:s13], [sflag:$0x2], $0x80, s29, s21, $0xb8;
	[tilespmem:$0x1D000] =	vst v63  }
0x53: {  	_ =	swait.ge [sflag:s14], $0x4000  }
0x54: {  	s29 =	smov.u32 s31;
	[sflag:s14] =	ssyncset.done $0x0  }
0x55: {  	s28 =	sshra.s32 s28, $0x2;
	[sflag:s14] =	ssyncadd.s32 $0xFFFFC000  }
0x56: {  	[tilespmem:s13], [sflag:$0x1] =	stream.indirect.gather [hbm4b:s4+s21], $0x80, s28, s21, $0xb8;
	[tilespmem:$0x1D000] =	vst v63  }
0x57: {  	_ =	swait.ge [sflag:s26], $0x4000  }
0x58: {  	[sflag:s26] =	ssyncset.done $0x0  }
0x59: {  	s28 =	sadd.s32 $0x2800, s28;
	[sflag:s26] =	ssyncadd.s32 $0xFFFFC000  }
0x5a: {  	[spmem:s2] =	stream.indirect.scatter.add.f32 [tilespmem:s13], [sflag:$0x2], $0x80, s28, s21, $0xb8;
	[tilespmem:$0x1D000] =	vst v63  }
0x5b: {  	_ =	swait.ge [sflag:s14], $0x4000  }
0x5c: {  	[sflag:s14] =	ssyncset.done $0x0  }
0x5d: {  	s31 =	sshll.u32 s0, $0x6;
	[sflag:s14] =	ssyncadd.s32 $0xFFFFC000  }
0x5e: {  	s29 =	sshrl.u32 s5, $0x3;
	s28 =	sor.u32 $0x1C02, s31;
	[bflag:$0x0] =	sbarrier.arrive $0xFFFF  }
0x5f: {  	[hbm:s16], [sflag:s28] =	dma.local [spmem:s29], $0x800  }
0x60: {  	_ =	swait.ge [sflag:s14], $0x800  }
0x61: {  	[sflag:s14] =	ssyncset.done $0x0  }
0x62: {  	[sflag:s14] =	ssyncadd.s32 $0xFFFFF800  }
0x63: {  	[hbm:s17], [sflag:s28] =	dma.local [spmem:s22], $0x800  }
0x64: {  	_ =	swait.ge [sflag:s14], $0x800  }
0x65: {  	[sflag:s14] =	ssyncset.done $0x0  }
0x66: {  	[sflag:s14] =	ssyncadd.s32 $0xFFFFF800  }
0x67: {  	[hbm:s18], [sflag:s28] =	dma.local [spmem:s23], $0x800  }
0x68: {  	_ =	swait.ge [sflag:s14], $0x800  }
0x69: {  	[sflag:s14] =	ssyncset.done $0x0  }
0x6a: {  	[sflag:s14] =	ssyncadd.s32 $0xFFFFF800  }
0x6b: {  	[hbm:s19], [sflag:s28] =	dma.local [spmem:s24], $0x800  }
0x6c: {  	s3 =	sadd.s32 $0x1, s3;
	_ =	swait.ge [sflag:s14], $0x800  }
0x6d: {  	p0 =	sne.s32 s3, s8;
	[sflag:s14] =	ssyncset.done $0x0  }
.Ltmp2:
0x6e: {  	[sflag:s14] =	ssyncadd.s32 $0xFFFFF800;
	(pc) =	sbr.rel @p0 .LBB2_1-.Ltmp2, $4  }
0x6f: {  	[hbm:s20], [sflag:s28] =	dma.local [spmem:s25], $0x800  }
0x70: {  	_ =	swait.ge [sflag:s14], $0x800  }
0x71: {  	[sflag:s14] =	ssyncset.done $0x0  }
0x72: {  	[sflag:s14] =	ssyncadd.s32 $0xFFFFF800  }
0x73: {  	_ =	sfence.sel $0x180000  }
0x74: {  	[bflag:$0x0] =	sbarrier.arrive $0xFFFF  }
0x75: {  	p0 =	sne.s32 s0, $0x0;
	_ =	strace $0x9000004D  }
0x76: {  	s0 =	sadd.s32 @!p0 $0x100000, s1;
	[bflag:$0x2] =	sbarrier.arrive $0xFFFF  }
0x77: {  	[sflag:s0] =	ssyncadd.tile.s32 @!p0 $0x1;
	_ =	shalt  }
.Lfunc_end2:
_tile_overlayer_lowered:
.L_overlay_start_2:
0x78: {  	(tag) =	ssettag $0x2  }
0x79: {  	s0 =	rddreg [dreg:$0x0];
	s2 =	stileid.u32  }
0x7a: {  	s1 =	rddreg [dreg:$0x1];
	p0 =	sne.s32 s2, $0x0  }
0x7b: {  	s3 =	rddreg [dreg:$0x2];
	[bflag:$0x3] =	sbarrier.arrive $0xFFFF;
	s2 =	simm.s32 @!p0 $0x1C02  }
0x7c: {  	[timem:s3], [sflag:s2] =	dma.local @!p0 [hbm:s0], s1  }
0x7d: {  	s0 =	simm.s32 @!p0 $0x2  }
0x7e: {  	_ =	swait.ge @!p0 [sflag:s0], s1  }
0x7f: {  	s1 =	ssub.s32 @!p0 $0x0, s1;
	[sflag:s0] =	ssyncset.done @!p0 $0x0  }
0x80: {  	[sflag:s0] =	ssyncadd.s32 @!p0 s1  }
0x81: {  	[bflag:$0x3] =	sbarrier.arrive $0xFFFF  }
0x82: {  	_ =	shalt  }

// kernel: kernel.20.cloned.1.call-start
scs
__scs_entry_jumppad:
0x0: {  	(pc) =	sbr.rel $0x88, $3  }
0x1: {  	(tag) =	ssettag $0x0;
	lr =	simm.s32 $0x1  }
0x2: {  	[smem:$0x3F7C] =	sst lr;
	_ =	strace $0xD0000000  }
0x3: {  	_ = 	snop  }
0x4: {  	_ = 	snop  }
0x5: {  	_ = 	snop  }
0x6: {  	_ = 	snop  }
0x7: {  	_ = 	snop  }
__scs_overlays_trampoline_lowered:
0x8: {  	[smem:$0x3F8B] =	sst s0  }
0x9: {  	[smem:$0x3F8C] =	sst s1  }
0xa: {  	[smem:$0x3F8D] =	sst s2  }
0xb: {  	[smem:$0x3F8E] =	sst s3  }
0xc: {  	[smem:$0x3F8F] =	sst s4  }
0xd: {  	[smem:$0x3F90] =	sst s5  }
0xe: {  	[smem:$0x3F91] =	sst s6  }
0xf: {  	[smem:$0x3F92] =	sst s7  }
0x10: {  	[smem:$0x3F93] =	sst s8  }
0x11: {  	[smem:$0x3F94] =	sst s9;
	s0 =	simm.s32 @!p0 $0x0  }
0x12: {  	s1 =	sld [smem:$0x3F7A];
	s0 =	simm.s32 @p0 $0x1  }
0x13: {  	[smem:$0x3F95] =	sst s0;
	s0 =	simm.s32 @!p1 $0x0  }
0x14: {  	s2 =	sld [smem:$0x3F79];
	s0 =	simm.s32 @p1 $0x1  }
0x15: {  	[smem:$0x3F96] =	sst s0;
	s0 =	simm.s32 @!p2 $0x0  }
0x16: {  	s3 =	sld [smem:$0x3FDB];
	s0 =	simm.s32 @p2 $0x1  }
0x17: {  	s4 =	simm.s32 $0x1BF5;
	[smem:$0x3F98] =	sst s0  }
0x18: {  	s0 =	sld [smem:$0x3F7B];
	_ =	swait.ge [sflag:s4], $0x0  }
0x19: {  	s7 =	sld [smem:$0x3F7C]  }
0x1a: {  	s8 =	sadd.s32 $0xFFFFE003, lr  }
0x1b: {  	s9 =	sadd.s32 $0xFFFFFEF7, lr;
	s5 =	simm.s32 $0xFFFFFFFF;
	p2 =	slt.u32 s8, $0xFFFFF086  }
0x1c: {  	p1 =	slt.u32 s9, $0xF7A;
	s5 =	simm.s32 @!p2 $0x0  }
0x1d: {  	s5 =	simm.s32 @p1 $0x1;
	p0 =	seq.s32 s7, s2  }
0x1e: {  	s7 =	smul.u32 @!p0 $0xF7A, s2;
	p2 =	seq.s32 @!p0 s5, $0x0  }
0x1f: {  	s9 =	smul.u32 $0xF7A, s1;
	s8 =	simm.s32 @!p0 $0x1BF5;
	p2 =	por !p2, p0  }
0x20: {  	[sflag:s8] =	ssyncset.s32 @!p0 $0xFFFFF086;
	s6 =	sadd.s32 @!p0 s3, s7;
	s7 =	simm.s32 @!p0 $0x108  }
0x21: {  	s3 =	sadd.s32 s3, s9;
	s6 =	sadd.s32 @!p0 $0x88, s6;
	s7 =	simm.s32 @p2 $0x1082  }
0x22: {  	[simem:s7], [sflag:s8] =	dma.local @!p0 [hbm:s6], $0xF7A  }
0x23: {  	s9 =	sor.u32 $0xD0000000, s2;
	s6 =	simm.s32 $0x108;
	_ =	swait.ge @!p0 [sflag:s8], $0x0  }
0x24: {  	s3 =	sadd.s32 $0x88, s3;
	s6 =	simm.s32 @!p1 $0x1082;
	[sflag:s4] =	ssyncset.s32 $0xFFFFF086  }
0x25: {  	[simem:s6], [sflag:s4] =	dma.local [hbm:s3], $0xF7A  }
0x26: {  	[smem:$0x3F7C] =	sst s1;
	(tag) =	ssettag s2;
	_ =	strace s9  }
0x27: {  	s1 =	sld [smem:$0x3F8C]  }
0x28: {  	s2 =	sld [smem:$0x3F8D]  }
0x29: {  	s4 =	sld [smem:$0x3F8F]  }
0x2a: {  	p0 =	seq.s32 s5, $0x0;
	s5 =	sld [smem:$0x3F90]  }
0x2b: {  	s6 =	sld [smem:$0x3F91]  }
0x2c: {  	s7 =	sld [smem:$0x3F92]  }
0x2d: {  	s3 =	simm.s32 $0x108;
	s8 =	sld [smem:$0x3F93]  }
0x2e: {  	s3 =	simm.s32 @!p0 $0x1082;
	s9 =	sld [smem:$0x3F94]  }
0x2f: {  	lr =	sadd.s32 s0, s3;
	s0 =	sld [smem:$0x3F8B]  }
0x30: {  	s3 =	sld [smem:$0x3F8E]  }
0x31: {  	[smem:$0x3F97] =	sst s10  }
0x32: {  	s10 =	sld [smem:$0x3F95];
	_ =	sdelay $0x3  }
0x33: {  	p0 =	seq.s32 s10, $0x1;
	s10 =	sld [smem:$0x3F97];
	_ =	sdelay $0x3  }
0x34: {  	[smem:$0x3F97] =	sst s10  }
0x35: {  	s10 =	sld [smem:$0x3F96];
	_ =	sdelay $0x3  }
0x36: {  	p1 =	seq.s32 s10, $0x1;
	s10 =	sld [smem:$0x3F97];
	_ =	sdelay $0x3  }
0x37: {  	[smem:$0x3F97] =	sst s10  }
0x38: {  	s10 =	sld [smem:$0x3F98]  }
0x39: {  	_ = 	snop;
	(pc) =	sbr.ind lr, $3  }
0x3a: {  	_ = 	snop  }
0x3b: {  	_ = 	snop  }
0x3c: {  	p2 =	seq.s32 s10, $0x1;
	s10 =	sld [smem:$0x3F97]  }
0x3d: {  	_ =	shalt  }
0x3e: {  	_ =	shalt  }
0x3f: {  	_ =	shalt  }
0x40: {  	_ =	shalt  }
0x41: {  	_ =	shalt  }
0x42: {  	_ =	shalt  }
0x43: {  	_ =	shalt  }
0x44: {  	_ =	shalt  }
0x45: {  	_ =	shalt  }
0x46: {  	_ =	shalt  }
0x47: {  	_ =	shalt  }
0x48: {  	_ =	shalt  }
0x49: {  	_ =	shalt  }
0x4a: {  	_ =	shalt  }
0x4b: {  	_ =	shalt  }
0x4c: {  	_ =	shalt  }
0x4d: {  	_ =	shalt  }
0x4e: {  	_ =	shalt  }
0x4f: {  	_ =	shalt  }
0x50: {  	_ =	shalt  }
0x51: {  	_ =	shalt  }
0x52: {  	_ =	shalt  }
0x53: {  	_ =	shalt  }
0x54: {  	_ =	shalt  }
0x55: {  	_ =	shalt  }
0x56: {  	_ =	shalt  }
0x57: {  	_ =	shalt  }
0x58: {  	_ =	shalt  }
0x59: {  	_ =	shalt  }
0x5a: {  	_ =	shalt  }
0x5b: {  	_ =	shalt  }
0x5c: {  	_ =	shalt  }
0x5d: {  	_ =	shalt  }
0x5e: {  	_ =	shalt  }
0x5f: {  	_ =	shalt  }
0x60: {  	_ =	shalt  }
0x61: {  	_ =	shalt  }
0x62: {  	_ =	shalt  }
0x63: {  	_ =	shalt  }
0x64: {  	_ =	shalt  }
0x65: {  	_ =	shalt  }
0x66: {  	_ =	shalt  }
0x67: {  	_ =	shalt  }
0x68: {  	_ =	shalt  }
0x69: {  	_ =	shalt  }
0x6a: {  	_ =	shalt  }
0x6b: {  	_ =	shalt  }
0x6c: {  	_ =	shalt  }
0x6d: {  	_ =	shalt  }
0x6e: {  	_ =	shalt  }
0x6f: {  	_ =	shalt  }
0x70: {  	_ =	shalt  }
0x71: {  	_ =	shalt  }
0x72: {  	_ =	shalt  }
0x73: {  	_ =	shalt  }
0x74: {  	_ =	shalt  }
0x75: {  	_ =	shalt  }
0x76: {  	_ =	shalt  }
0x77: {  	_ =	shalt  }
0x78: {  	_ =	shalt  }
0x79: {  	_ =	shalt  }
0x7a: {  	_ =	shalt  }
0x7b: {  	_ =	shalt  }
0x7c: {  	_ =	shalt  }
0x7d: {  	_ =	shalt  }
0x7e: {  	_ =	shalt  }
0x7f: {  	_ =	shalt  }
0x80: {  	_ =	shalt  }
0x81: {  	_ =	shalt  }
0x82: {  	_ =	shalt  }
0x83: {  	_ =	shalt  }
0x84: {  	_ =	shalt  }
0x85: {  	_ =	shalt  }
0x86: {  	_ =	shalt  }
0x87: {  	_ =	shalt  }
.Lfunc_end0:
.L_simem_size_0:
called_computation.3_lowered:
.L_overlay_start_0:
0x88: {  	s2 =	sld [smem:$0x3FD9]  }
0x89: {  	s3 =	sld [smem:$0x3FFE];
	_ =	sdelay $0x1  }
0x8a: {  	s1 =	srdreg.scid  }
0x8b: {  	s0 =	sand.u32 $0x1, s1  }
0x8c: {  	s14 =	sshll.u32 s0, $0xA;
	s2 =	sadd.s32 s3, s2  }
0x8d: {  	s2 =	sadd.s32 s2, s14  }
0x8e: {  	[smem:$0x3FA3] =	sst s2  }
0x8f: {  	_ = 	snop  }
0x90: {  	s2 =	sld [smem:$0x3FD0];
	_ =	sdelay $0x2  }
0x91: {  	s15 =	simm.s32 $0xA;
	s4 =	simm.s32 $0x10  }
0x92: {  	[smem:s4], [sflag:s15] =	dma.local [hbm:s2], $0x1  }
0x93: {  	_ =	swait.eq [sflag:s15], $0x1  }
0x94: {  	[sflag:s15] =	ssyncset.done $0x0  }
0x95: {  	[sflag:s15] =	ssyncadd.s32 $0xFFFFFFFF  }
0x96: {  	s16 =	sld [smem:$0x10];
	(tm) =	ssettm $0x1  }
0x97: {  	s17 =	sld [smem:$0x3FFB];
	_ =	sdelay $0x3  }
0x98: {  	_ =	strace s17  }
0x99: {  	s3 =	sld [smem:$0x3FFC];
	_ =	sdelay $0x3  }
0x9a: {  	_ =	strace s3  }
0x9b: {  	s3 =	sld [smem:$0x3FFD];
	_ =	sdelay $0x3  }
0x9c: {  	_ =	strace s3  }
0x9d: {  	_ =	strace $0x8FFFFFFF  }
0x9e: {  	s18 =	sld [smem:$0x3FDB];
	_ =	sdelay $0x1  }
0x9f: {  	s19 =	simm.s32 $_scs_section_size  }
0xa0: {  	s5 =	simm.s32 $_size__tile_overlayer_lowered;
	s6 =	simm.s32 $_tile_overlayer_lowered  }
0xa1: {  	s22 =	simm.s32 $0x1BFF;
	s21 =	sshll.u32 s6, $0x1;
	s3 =	sadd.s32 s19, s18  }
0xa2: {  	s7 =	simm.s32 $0x0;
	s20 =	sshll.u32 s5, $0x1;
	s5 =	sadd.s32 s21, s3  }
0xa3: {  	[timem:s7], [sflag:s22] =	dma.local [hbm:s5], s20  }
0xa4: {  	_ =	swait.ge [sflag:s22], s20  }
0xa5: {  	s4 =	ssub.s32 $0x0, s20;
	[sflag:s22] =	ssyncset.done $0x0  }
0xa6: {  	[sflag:s22] =	ssyncadd.s32 s4;
	_ =	sdelay $0x1  }
0xa7: {  	s23 =	simm.s32 $0x1B8B  }
0xa8: {  	_ =	swait.ge [sflag:s23], $0x1  }
0xa9: {  	[sflag:s23] =	ssyncset.done $0x0  }
0xaa: {  	s25 =	simm.s32 $0x1B8E;
	s24 =	sld [smem:$0x3FFE];
	[sflag:s23] =	ssyncadd.s32 $0xFFFFFFFF  }
0xab: {  	s26 =	simm.s32 $execute0_lowered;
	[smem:$0x3FD2] =	sst s25  }
0xac: {  	s5 =	sshll.u32 s26, $0x1;
	_ =	strace $0x8000004F;
	[dreg:$0x1] =	wrdreg $0xFFFFFFFF  }
0xad: {  	s28 =	simm.s32 $_size_execute0_lowered;
	s3 =	sadd.s32 s3, s5;
	[dreg:$0x0] =	wrdreg $0x0  }
0xae: {  	s5 =	sshll.u32 s28, $0x1;
	[dreg:$0x2] =	wrdreg s3  }
0xaf: {  	[dreg:$0x3] =	wrdreg s5  }
0xb0: {  	[dreg:$0x4] =	wrdreg $0xC0  }
0xb1: {  	_ =	task [dreg:s7], $0x5FFFF  }
0xb2: {  	[dreg:$0x1] =	wrdreg $0xFFFFFFFF  }
0xb3: {  	[dreg:$0x0] =	wrdreg $0x60  }
0xb4: {  	[dreg:$0x2] =	wrdreg s24  }
0xb5: {  	[dreg:$0x3] =	wrdreg s16  }
0xb6: {  	[dreg:$0x4] =	wrdreg $0x90000  }
0xb7: {  	[dreg:$0x5] =	wrdreg $0x9  }
0xb8: {  	_ =	task.clear_ibuf [dreg:s7], $0x6FFFF;
	_ =	strace $0x9000004F  }
0xb9: {  	s29 =	simm.s32 $0x9;
	_ =	strace $0x80000051  }
0xba: {  	_ =	swait.ge [sflag:s29], $0x1  }
0xbb: {  	[sflag:s29] =	ssyncadd.s32 $0xFFFFFFFF  }
0xbc: {  	_ =	strace $0x90000051  }
0xbd: {  	_ =	sfence  }
0xbe: {  	s30 =	sld [smem:$0x0];
	_ =	sdelay $0x2  }
0xbf: {  	s31 =	sshll.u32 s1, $0xD;
	s1 =	sshrl.u32 s1, $0x2  }
0xc0: {  	s3 =	sand.u32 $0x4000, s31;
	s1 =	sadd.s32 s1, s30  }
0xc1: {  	s0 =	sor.u32 s3, s0;
	s1 =	sshll.u32 s1, $0x11  }
0xc2: {  	s0 =	sor.u32 s1, s0  }
0xc3: {  	s0 =	sadd.s32 $0x8F2B, s0  }
0xc4: {  	[sflag:s0] =	ssyncadd.remote.s32 $0x1  }
0xc5: {  	_ =	sfence.sel $0xFFFF  }
0xc6: {  	[dreg:$0x0] =	wrdreg $0xFFFFFFFF;
	(pc) =	sbr.abs _section_cstart, $3  }
0xc7: {  	[dreg:$0x1] =	wrdreg $0xFFFFFFFF  }
0xc8: {  	_ =	task.clear_ibuf [dreg:s7], $0x2FFFF;
	_ =	strace $0x9FFFFFFF  }
0xc9: {  	(tm) =	ssettm $0x7FFFFFFF  }
tec
execute0_lowered:
.L_overlay_start_1:
0x0: {  	(tag) =	ssettag $0x1  }
0x1: {  	s0 =	srdreg.scid;
	s5 =	rddreg [dreg:$0x0]  }
0x2: {  	s7 =	rddreg [dreg:$0x1];
	s6 =	sand.u32 $0x1, s0  }
0x3: {  	s0 =	stileid.u32;
	s9 =	smul.u32 $0x28000, s6  }
0x4: {  	s2 =	rddreg [dreg:$0x2];
	s3 =	simm.s32 $0x0;
	s10 =	smul.u32 $0x50000, s0  }
0x5: {  	[smem:$0x7FF] =	sst s3;
	s1 =	sshll.u32 s6, $0x4;
	s13 =	smul.u32 $0x280, s0  }
0x6: {  	s6 =	ssub.s32 $0x2, s6;
	s16 =	smul.u32 $0x2800, s0;
	s4 =	sor.u32 s0, s1  }
0x7: {  	s1 =	rddreg [dreg:$0x3];
	_ =	strace $0x80000050;
	s26 =	sshrl.u32 s6, $0x1  }
0x8: {  	s8 =	smul.u32 $0x500, s4;
	s4 =	sadd.s32 $0x11400, s5;
	s9 =	sadd.s32 s9, s5  }
0x9: {  	s10 =	sshrl.u32 s10, $0x2;
	s12 =	ssub.s32 s6, s26;
	s14 =	sadd.s32 $0x80, s13  }
0xa: {  	s17 =	sadd.s32 $0x100, s13;
	s29 =	sadd.s32 $0x180, s13;
	s13 =	sadd.s32 $0x200, s13  }
0xb: {  	s20 =	sadd.s32 $0xB1400, s9;
	s15 =	sshll.u32 s14, $0x7;
	s18 =	sshll.u32 s14, $0x4  }
0xc: {  	s28 =	sshll.u32 s17, $0x7;
	s19 =	sshll.u32 s17, $0x4;
	s30 =	sshll.u32 s29, $0x7  }
0xd: {  	s31 =	sshll.u32 s13, $0x7;
	s21 =	sshll.u32 s29, $0x4;
	s26 =	sshll.u32 s13, $0x4  }
0xe: {  	s13 =	simm.s32 $0x5000;
	s14 =	simm.s32 $0x2;
	s11 =	sadd.s32 s8, s5  }
0xf: {  	s5 =	sadd.s32 s10, s2;
	s6 =	sadd.s32 s7, s8;
	s8 =	smax.u32 s12, $0x1  }
0x10: {  	s22 =	sadd.s32 s15, s2;
	s23 =	sadd.s32 s28, s2;
	s24 =	sadd.s32 s30, s2  }
0x11: {  	s25 =	sadd.s32 s31, s2;
	s15 =	simm.s32 $0x2800;
	s16 =	sadd.s32 s16, s20  }
0x12: {  	s17 =	sadd.s32 s18, s20;
	s18 =	sadd.s32 s19, s20;
	s19 =	sadd.s32 s21, s20  }
0x13: {  	s20 =	sadd.s32 s26, s20;
	s21 =	simm.s32 $0x80;
	s26 =	simm.s32 $0x1  }
0x14: {  	s7 =	sadd.s32 $0x7400, s11;
	s9 =	sadd.s32 $0x4000, s5;
	s10 =	sadd.s32 $0x8000, s5  }
0x15: {  	s11 =	sadd.s32 $0xC000, s5;
	s12 =	sadd.s32 $0x10000, s5;
	s22 =	sshrl.u32 s22, $0x3  }
0x16: {  	v0 =	vimm.f32 $0.0e+00;
	s23 =	sshrl.u32 s23, $0x3;
	s24 =	sshrl.u32 s24, $0x3;
	s25 =	sshrl.u32 s25, $0x3  }
.LBB2_1:
0x17: {  	s28 =	simm.s32 $0x0;
	s29 =	simm.s32 $0x200  }
.LBB2_2:
0x18: {  	p0 =	sne.s32 s29, $0xFE00;
	[tilespmem:s28+$0x5070] =	vst v0  }
0x19: {  	[tilespmem:s28+$0x5000] =	vst v0  }
0x1a: {  	[tilespmem:s28+$0x5010] =	vst v0  }
.Ltmp0:
0x1b: {  	[tilespmem:s28+$0x5020] =	vst v0;
	(pc) =	sbr.rel @p0 .LBB2_2-.Ltmp0, $4  }
0x1c: {  	[tilespmem:s28+$0x5030] =	vst v0  }
0x1d: {  	[tilespmem:s28+$0x5040] =	vst v0  }
0x1e: {  	[tilespmem:s28+$0x5050] =	vst v0  }
0x1f: {  	[tilespmem:s28+$0x5060] =	vst v0;
	s28 =	sshra.s32 s29, $0x2;
	s29 =	sadd.s32 $0x200, s29  }
0x20: {  	[tilespmem:s28+$0x5070] =	vst v0  }
0x21: {  	[tilespmem:s28+$0x5000] =	vst v0  }
0x22: {  	[tilespmem:s28+$0x5010] =	vst v0  }
0x23: {  	[tilespmem:s28+$0x5020] =	vst v0  }
0x24: {  	[tilespmem:s28+$0x5030] =	vst v0  }
0x25: {  	[tilespmem:s28+$0x5040] =	vst v0  }
0x26: {  	[tilespmem:s28+$0x5050] =	vst v0  }
0x27: {  	[tilespmem:s28+$0x5060] =	vst v0  }
0x28: {  	[spmem:s5] =	stream.linear.scatter [tilespmem:s13], [sflag:$0x2], $0x4000, $0x38;
	[tilespmem:$0x1D000] =	vst v63  }
0x29: {  	_ =	swait.ge [sflag:s14], $0x4000  }
0x2a: {  	[sflag:s14] =	ssyncset.done $0x0  }
0x2b: {  	[sflag:s14] =	ssyncadd.s32 $0xFFFFC000  }
0x2c: {  	[spmem:s9] =	stream.linear.scatter [tilespmem:s13], [sflag:$0x2], $0x4000, $0x38;
	[tilespmem:$0x1D000] =	vst v63  }
0x2d: {  	_ =	swait.ge [sflag:s14], $0x4000  }
0x2e: {  	[sflag:s14] =	ssyncset.done $0x0  }
0x2f: {  	[sflag:s14] =	ssyncadd.s32 $0xFFFFC000  }
0x30: {  	[spmem:s10] =	stream.linear.scatter [tilespmem:s13], [sflag:$0x2], $0x4000, $0x38;
	[tilespmem:$0x1D000] =	vst v63  }
0x31: {  	_ =	swait.ge [sflag:s14], $0x4000  }
0x32: {  	[sflag:s14] =	ssyncset.done $0x0  }
0x33: {  	[sflag:s14] =	ssyncadd.s32 $0xFFFFC000  }
0x34: {  	[spmem:s11] =	stream.linear.scatter [tilespmem:s13], [sflag:$0x2], $0x4000, $0x38;
	[tilespmem:$0x1D000] =	vst v63  }
0x35: {  	_ =	swait.ge [sflag:s14], $0x4000  }
0x36: {  	[sflag:s14] =	ssyncset.done $0x0  }
0x37: {  	[sflag:s14] =	ssyncadd.s32 $0xFFFFC000  }
0x38: {  	[spmem:s12] =	stream.linear.scatter [tilespmem:s13], [sflag:$0x2], $0x4000, $0x38;
	[tilespmem:$0x1D000] =	vst v63  }
0x39: {  	_ =	swait.ge [sflag:s14], $0x4000  }
0x3a: {  	[sflag:s14] =	ssyncset.done $0x0  }
0x3b: {  	[sflag:s14] =	ssyncadd.s32 $0xFFFFC000  }
0x3c: {  	s28 =	simm.s32 $0x0;
	[bflag:$0x0] =	sbarrier.arrive $0xFFFF  }
0x3d: {  	[tilespmem:s28], [sflag:$0x2] =	stream.linear.gather [hbm4b:s6+s28], $0x2780, $0x38;
	[tilespmem:$0x1D000] =	vst v63  }
0x3e: {  	_ =	swait.ge [sflag:s14], $0x2780  }
0x3f: {  	[sflag:s14] =	ssyncset.done $0x0  }
0x40: {  	[sflag:s14] =	ssyncadd.s32 $0xFFFFD880  }
0x41: {  	[tilespmem:s15], [sflag:$0x2] =	stream.linear.gather [hbm4b:s7+s28], $0x2780, $0x38;
	[tilespmem:$0x1D000] =	vst v63  }
0x42: {  	_ =	swait.ge [sflag:s14], $0x2780  }
0x43: {  	[sflag:s14] =	ssyncset.done $0x0  }
0x44: {  	s28 =	simm.s32 $0x0;
	[sflag:s14] =	ssyncadd.s32 $0xFFFFD880  }
0x45: {  	[tilespmem:s13], [sflag:$0x1] =	stream.indirect.gather [hbm4b:s4+s21], $0x80, s28, s21, $0xb8;
	[tilespmem:$0x1D000] =	vst v63  }
0x46: {  	_ =	swait.ge [sflag:s26], $0x4000  }
0x47: {  	[sflag:s26] =	ssyncset.done $0x0  }
0x48: {  	s28 =	simm.s32 $0x2800;
	[sflag:s26] =	ssyncadd.s32 $0xFFFFC000  }
0x49: {  	[spmem:s2] =	stream.indirect.scatter.add.f32 [tilespmem:s13], [sflag:$0x2], $0x80, s28, s21, $0xb8;
	[tilespmem:$0x1D000] =	vst v63  }
0x4a: {  	_ =	swait.ge [sflag:s14], $0x4000  }
0x4b: {  	s29 =	simm.s32 $0x400;
	s28 =	simm.s32 $0x200;
	[sflag:s14] =	ssyncset.done $0x0  }
.LBB2_4:
0x4c: {  	s30 =	sshra.s32 s28, $0x2  }
0x4d: {  	[sflag:s14] =	ssyncadd.s32 $0xFFFFC000;
	s28 =	smov.u32 s29;
	s31 =	sadd.s32 $0x200, s29  }
0x4e: {  	[tilespmem:s13], [sflag:$0x1] =	stream.indirect.gather [hbm4b:s4+s21], $0x80, s30, s21, $0xb8;
	[tilespmem:$0x1D000] =	vst v63  }
0x4f: {  	p0 =	sne.s32 s29, $0x9C00;
	_ =	swait.ge [sflag:s26], $0x4000  }
.Ltmp1:
0x50: {  	[sflag:s26] =	ssyncset.done $0x0;
	(pc) =	sbr.rel @p0 .LBB2_4-.Ltmp1, $4  }
0x51: {  	s29 =	sadd.s32 $0x2800, s30;
	[sflag:s26] =	ssyncadd.s32 $0xFFFFC000  }
0x52: {  	[spmem:s2] =	stream.indirect.scatter.add.f32 [tilespmem:s13], [sflag:$0x2], $0x80, s29, s21, $0xb8;
	[tilespmem:$0x1D000] =	vst v63  }
0x53: {  	_ =	swait.ge [sflag:s14], $0x4000  }
0x54: {  	s29 =	smov.u32 s31;
	[sflag:s14] =	ssyncset.done $0x0  }
0x55: {  	s28 =	sshra.s32 s28, $0x2;
	[sflag:s14] =	ssyncadd.s32 $0xFFFFC000  }
0x56: {  	[tilespmem:s13], [sflag:$0x1] =	stream.indirect.gather [hbm4b:s4+s21], $0x80, s28, s21, $0xb8;
	[tilespmem:$0x1D000] =	vst v63  }
0x57: {  	_ =	swait.ge [sflag:s26], $0x4000  }
0x58: {  	[sflag:s26] =	ssyncset.done $0x0  }
0x59: {  	s28 =	sadd.s32 $0x2800, s28;
	[sflag:s26] =	ssyncadd.s32 $0xFFFFC000  }
0x5a: {  	[spmem:s2] =	stream.indirect.scatter.add.f32 [tilespmem:s13], [sflag:$0x2], $0x80, s28, s21, $0xb8;
	[tilespmem:$0x1D000] =	vst v63  }
0x5b: {  	_ =	swait.ge [sflag:s14], $0x4000  }
0x5c: {  	[sflag:s14] =	ssyncset.done $0x0  }
0x5d: {  	s31 =	sshll.u32 s0, $0x6;
	[sflag:s14] =	ssyncadd.s32 $0xFFFFC000  }
0x5e: {  	s29 =	sshrl.u32 s5, $0x3;
	s28 =	sor.u32 $0x1C02, s31;
	[bflag:$0x0] =	sbarrier.arrive $0xFFFF  }
0x5f: {  	[hbm:s16], [sflag:s28] =	dma.local [spmem:s29], $0x800  }
0x60: {  	_ =	swait.ge [sflag:s14], $0x800  }
0x61: {  	[sflag:s14] =	ssyncset.done $0x0  }
0x62: {  	[sflag:s14] =	ssyncadd.s32 $0xFFFFF800  }
0x63: {  	[hbm:s17], [sflag:s28] =	dma.local [spmem:s22], $0x800  }
0x64: {  	_ =	swait.ge [sflag:s14], $0x800  }
0x65: {  	[sflag:s14] =	ssyncset.done $0x0  }
0x66: {  	[sflag:s14] =	ssyncadd.s32 $0xFFFFF800  }
0x67: {  	[hbm:s18], [sflag:s28] =	dma.local [spmem:s23], $0x800  }
0x68: {  	_ =	swait.ge [sflag:s14], $0x800  }
0x69: {  	[sflag:s14] =	ssyncset.done $0x0  }
0x6a: {  	[sflag:s14] =	ssyncadd.s32 $0xFFFFF800  }
0x6b: {  	[hbm:s19], [sflag:s28] =	dma.local [spmem:s24], $0x800  }
0x6c: {  	s3 =	sadd.s32 $0x1, s3;
	_ =	swait.ge [sflag:s14], $0x800  }
0x6d: {  	p0 =	sne.s32 s3, s8;
	[sflag:s14] =	ssyncset.done $0x0  }
.Ltmp2:
0x6e: {  	[sflag:s14] =	ssyncadd.s32 $0xFFFFF800;
	(pc) =	sbr.rel @p0 .LBB2_1-.Ltmp2, $4  }
0x6f: {  	[hbm:s20], [sflag:s28] =	dma.local [spmem:s25], $0x800  }
0x70: {  	_ =	swait.ge [sflag:s14], $0x800  }
0x71: {  	[sflag:s14] =	ssyncset.done $0x0  }
0x72: {  	[sflag:s14] =	ssyncadd.s32 $0xFFFFF800  }
0x73: {  	_ =	sfence.sel $0x180000  }
0x74: {  	[bflag:$0x0] =	sbarrier.arrive $0xFFFF  }
0x75: {  	p0 =	sne.s32 s0, $0x0;
	_ =	strace $0x90000050  }
0x76: {  	s0 =	sadd.s32 @!p0 $0x100000, s1;
	[bflag:$0x2] =	sbarrier.arrive $0xFFFF  }
0x77: {  	[sflag:s0] =	ssyncadd.tile.s32 @!p0 $0x1;
	_ =	shalt  }
.Lfunc_end2:
_tile_overlayer_lowered:
.L_overlay_start_2:
0x78: {  	(tag) =	ssettag $0x2  }
0x79: {  	s0 =	rddreg [dreg:$0x0];
	s2 =	stileid.u32  }
0x7a: {  	s1 =	rddreg [dreg:$0x1];
	p0 =	sne.s32 s2, $0x0  }
0x7b: {  	s3 =	rddreg [dreg:$0x2];
	[bflag:$0x3] =	sbarrier.arrive $0xFFFF;
	s2 =	simm.s32 @!p0 $0x1C02  }
0x7c: {  	[timem:s3], [sflag:s2] =	dma.local @!p0 [hbm:s0], s1  }
0x7d: {  	s0 =	simm.s32 @!p0 $0x2  }
0x7e: {  	_ =	swait.ge @!p0 [sflag:s0], s1  }
0x7f: {  	s1 =	ssub.s32 @!p0 $0x0, s1;
	[sflag:s0] =	ssyncset.done @!p0 $0x0  }
0x80: {  	[sflag:s0] =	ssyncadd.s32 @!p0 s1  }
0x81: {  	[bflag:$0x3] =	sbarrier.arrive $0xFFFF  }
0x82: {  	_ =	shalt  }

</sc_bundles>
